<compile_context>
chip_gen: v7x
topology: tpu7x:2x2x1
jax: 0.10.2.dev20260603
libtpu: 0.0.44.dev20260713+nightly
codegen_flags: <defaults>
</compile_context>

<pallas_src>
import functools

import jax
import jax.numpy as jnp
from jax import lax
from jax.experimental import pallas as pl
from jax.experimental.pallas import tpu as pltpu
from jax.experimental.pallas import tpu_sc as plsc

N_NODES = 10000
N_EDGES = 320000
D_IN = 128
D_HID = 128
D_OUT = 16

NC = 2
NS = 16
NW = NC * NS
L = 16

B = 128
G = 80
PH = 2
GP = G // PH
E_PAD = NW * G * B
N_TRASH = 112
N_ACC = N_NODES + N_TRASH
ROWS_PER_TILE = N_ACC // NS


def _sc_edge_agg(d):
    mesh = plsc.VectorSubcoreMesh(core_axis_name="c", subcore_axis_name="s")

    @functools.partial(
        pl.kernel,
        out_type=jax.ShapeDtypeStruct((NC, N_ACC, d), jnp.float32),
        mesh=mesh,
        scratch_types=[
            pltpu.VMEM((GP, B), jnp.int32),
            pltpu.VMEM((GP, B), jnp.int32),
            pltpu.VMEM((2, B, d), jnp.float32),
            pltpu.VMEM_SHARED((N_ACC, d), jnp.float32),
            pltpu.SemaphoreType.DMA,
            pltpu.SemaphoreType.DMA,
        ],
        compiler_params=pltpu.CompilerParams(use_tc_tiling_on_sc=(d % 128 == 0)),
    )
    def agg(srcp_hbm, dstp_hbm, feat_hbm, out_hbm,
            srcv, dstv, rows, acc, sem0, sem1):
        cid = lax.axis_index("c")
        sid = lax.axis_index("s")
        wid = cid * NS + sid

        zero = jnp.zeros((L,), jnp.float32)

        def zrow(r, carry):
            for c in range(d // L):
                rows[0, r, pl.ds(c * L, L)] = zero
            return carry

        lax.fori_loop(0, B, zrow, 0)
        zbase = sid * ROWS_PER_TILE
        for z in range(4):
            pltpu.sync_copy(rows.at[0], acc.at[pl.ds(zbase + z * B, B)])
        pltpu.sync_copy(rows.at[0, pl.ds(0, ROWS_PER_TILE - 4 * B)],
                        acc.at[pl.ds(zbase + 4 * B, ROWS_PER_TILE - 4 * B)])
        plsc.subcore_barrier()

        for ph in range(PH):
            pltpu.sync_copy(srcp_hbm.at[wid, pl.ds(ph * GP, GP)], srcv)
            pltpu.sync_copy(dstp_hbm.at[wid, pl.ds(ph * GP, GP)], dstv)

            pltpu.async_copy(feat_hbm.at[srcv.at[0]], rows.at[0], sem0)
            pltpu.async_copy(feat_hbm.at[srcv.at[1]], rows.at[1], sem1)

            def body(j, carry):
                g0 = 2 * j
                g1 = g0 + 1
                pltpu.make_async_copy(
                    feat_hbm.at[srcv.at[g0]], rows.at[0], sem0).wait()
                pltpu.sync_copy(rows.at[0], acc.at[dstv.at[g0]], add=True)

                @pl.when(g0 + 2 < GP)
                def _():
                    pltpu.async_copy(
                        feat_hbm.at[srcv.at[g0 + 2]], rows.at[0], sem0)

                pltpu.make_async_copy(
                    feat_hbm.at[srcv.at[g1]], rows.at[1], sem1).wait()
                pltpu.sync_copy(rows.at[1], acc.at[dstv.at[g1]], add=True)

                @pl.when(g1 + 2 < GP)
                def _():
                    pltpu.async_copy(
                        feat_hbm.at[srcv.at[g1 + 2]], rows.at[1], sem1)

                return carry

            lax.fori_loop(0, GP // 2, body, 0)

        plsc.subcore_barrier()

        pltpu.sync_copy(acc.at[pl.ds(zbase, ROWS_PER_TILE)],
                        out_hbm.at[cid, pl.ds(zbase, ROWS_PER_TILE)])

    return agg


def _dense_body(p_ref, w1_ref, b1_ref, w2_ref, o_ref):
    ps = p_ref[0] + p_ref[1]
    h1 = jnp.dot(ps, w1_ref[...], preferred_element_type=jnp.float32)
    h1 = jnp.maximum(h1 + b1_ref[...], 0.0)
    o_ref[...] = jnp.dot(h1, w2_ref[...], preferred_element_type=jnp.float32)


def _final_body(q_ref, b2_ref, o_ref):
    o_ref[...] = q_ref[0, :N_NODES] + q_ref[1, :N_NODES] + b2_ref[...]


def kernel(x, edge_index, W1, b1, W2, b2):
    src = edge_index[0]
    dst = edge_index[1]

    pad = E_PAD - N_EDGES
    k = lax.iota(jnp.int32, pad)
    srcp = jnp.concatenate([src, k % N_NODES]).reshape(NW, G, B)
    dstp = jnp.concatenate([dst, N_NODES + k % N_TRASH]).reshape(NW, G, B)

    p = _sc_edge_agg(D_IN)(srcp, dstp, x)

    rb = N_ACC // 4
    h2 = pl.pallas_call(
        _dense_body,
        grid=(4,),
        in_specs=[
            pl.BlockSpec((NC, rb, D_IN), lambda i: (0, i, 0)),
            pl.BlockSpec((D_IN, D_HID), lambda i: (0, 0)),
            pl.BlockSpec((1, D_HID), lambda i: (0, 0)),
            pl.BlockSpec((D_HID, D_OUT), lambda i: (0, 0)),
        ],
        out_specs=pl.BlockSpec((rb, D_OUT), lambda i: (i, 0)),
        out_shape=jax.ShapeDtypeStruct((N_ACC, D_OUT), jnp.float32),
    )(p, W1, b1.reshape(1, D_HID), W2)

    q = _sc_edge_agg(D_OUT)(srcp, dstp, h2)

    out = pl.pallas_call(
        _final_body,
        in_specs=[
            pl.BlockSpec((NC, N_ACC, D_OUT), lambda: (0, 0, 0)),
            pl.BlockSpec((1, D_OUT), lambda: (0, 0)),
        ],
        out_specs=pl.BlockSpec((N_NODES, D_OUT), lambda: (0, 0)),
        out_shape=jax.ShapeDtypeStruct((N_NODES, D_OUT), jnp.float32),
    )(q, b2.reshape(1, D_OUT))
    return out

# --- scband reference (transcript-rebuilt; emitter-appended) ---
"""Pipeline reference for scband-gcn-13280038879718 (READ-ONLY COPY).

The authoritative reference and input builder live on the scoring server;
editing this copy changes nothing except your own understanding.
"""

import jax, jax.numpy as jnp
import numpy as np

N = 10000
E = 320000
D_IN = 128
D_HID = 128
D_OUT = 16


def setup_inputs(seed: int = 0) -> dict:
    key = jax.random.key(seed)
    k1, k2, k3, k4 = jax.random.split(key, 4)
    x = jax.random.normal(k1, (N, D_IN), dtype=jnp.float32)
    edge_index = jax.random.randint(k2, (2, E), 0, N, dtype=jnp.int32)
    W1 = jax.random.normal(k3, (D_IN, D_HID), dtype=jnp.float32) * (1.0 / np.sqrt(D_IN))
    b1 = jnp.zeros((D_HID,), dtype=jnp.float32)
    W2 = jax.random.normal(k4, (D_HID, D_OUT), dtype=jnp.float32) * (1.0 / np.sqrt(D_HID))
    b2 = jnp.zeros((D_OUT,), dtype=jnp.float32)
    return {"x": x, "edge_index": edge_index, "W1": W1, "b1": b1, "W2": W2, "b2": b2}


def _gcn_conv(x, src, dst, W, b):
    # GCNConv with normalize=False, add_self_loops=False:
    # linear transform then sum-aggregate messages from src -> dst, then add bias.
    h = x @ W
    agg = jnp.zeros((x.shape[0], h.shape[1]), dtype=h.dtype).at[dst].add(h[src])
    return agg + b


def reference(x, edge_index, W1, b1, W2, b2):
    src = edge_index[0]
    dst = edge_index[1]
    h = _gcn_conv(x, src, dst, W1, b1)
    h = jax.nn.relu(h)
    out = _gcn_conv(h, src, dst, W2, b2)
    return out

if __name__ == "__main__":
    import jax
    _d = setup_inputs()
    print(jax.jit(kernel)(*tuple(_d.values())))

</pallas_src>

<mosaic_0001>
#map = affine_map<(d0, d1) -> (0, 0, 0)>
#map1 = affine_map<(d0, d1) -> (0, 0)>
module attributes {stable_mosaic.version = 14 : i64} {
  func.func @agg(%arg0: i32, %arg1: i32, %arg2: memref<32x80x128xi32, #tpu.memory_space<hbm>>, %arg3: memref<32x80x128xi32, #tpu.memory_space<hbm>>, %arg4: memref<10000x128xf32, #tpu.memory_space<hbm>>, %arg5: memref<2x10112x128xf32, #tpu.memory_space<hbm>>, %arg6: memref<40x128xi32, #tpu.memory_space<vmem>>, %arg7: memref<40x128xi32, #tpu.memory_space<vmem>>, %arg8: memref<2x128x128xf32, #tpu.memory_space<vmem>>, %arg9: memref<10112x128xf32, #tpu.memory_space<vmem_shared>>, %arg10: memref<!tpu.dma_semaphore, #tpu.memory_space<semaphore_mem>>, %arg11: memref<!tpu.dma_semaphore, #tpu.memory_space<semaphore_mem>>) attributes {dimension_semantics = [#tpu.dimension_semantics<core_parallel>, #tpu.dimension_semantics<subcore_parallel>], iteration_bounds = array<i64: 2, 16>, scalar_prefetch = 0 : i64, scratch_operands = 6 : i64, tpu.core_type = #tpu.core_type<sc_vector_subcore>, window_params = [{transform_indices = #map}, {transform_indices = #map}, {transform_indices = #map1}, {transform_indices = #map}]} {
    %mul3A = arith.constant 16 : i32
    %mul3A_0 = arith.muli %arg0, %mul3A : i32
    %add3A = arith.addi %mul3A_0, %arg1 : i32
    %broadcast_in_dim3A = arith.constant 0.000000e+00 : f32
    %broadcast_in_dim3A_1 = vector.broadcast %broadcast_in_dim3A : f32 to vector<16xf32>
    %scan3A = arith.constant 0 : i32
    %scan3A_2 = arith.constant 0 : i32
    %scan3A_3 = arith.constant 128 : i32
    %scan3A_4 = arith.addi %scan3A_2, %scan3A_3 : i32
    %scan3A_5 = arith.constant 1 : i32
    scf.for %scan3A_83 = %scan3A_2 to %scan3A_4 step %scan3A_5  : i32 {
      %swap3A = arith.constant 0 : i32
      %swap3A_84 = arith.index_cast %swap3A : i32 to index
      %swap3A_85 = arith.index_cast %scan3A_83 : i32 to index
      %swap3A_86 = arith.constant 0 : index
      %swap3A_87 = tpu.vector_load %arg8[%swap3A_84, %swap3A_85, %swap3A_86] {strides = array<i32>} : memref<2x128x128xf32, #tpu.memory_space<vmem>>, vector<1x1x16xf32>,
      %swap3A_88 = vector.shape_cast %swap3A_87 : vector<1x1x16xf32> to vector<16xf32>
      %swap3A_89 = vector.shape_cast %broadcast_in_dim3A_1 : vector<16xf32> to vector<1x1x16xf32>
      tpu.vector_store %arg8[%swap3A_84, %swap3A_85, %swap3A_86], %swap3A_89 {strides = array<i32>} : memref<2x128x128xf32, #tpu.memory_space<vmem>>, vector<1x1x16xf32>,
      %swap3A_90 = arith.constant 0 : i32
      %swap3A_91 = arith.index_cast %swap3A_90 : i32 to index
      %swap3A_92 = arith.index_cast %scan3A_83 : i32 to index
      %swap3A_93 = arith.constant 16 : index
      %swap3A_94 = tpu.vector_load %arg8[%swap3A_91, %swap3A_92, %swap3A_93] {strides = array<i32>} : memref<2x128x128xf32, #tpu.memory_space<vmem>>, vector<1x1x16xf32>,
      %swap3A_95 = vector.shape_cast %swap3A_94 : vector<1x1x16xf32> to vector<16xf32>
      %swap3A_96 = vector.shape_cast %broadcast_in_dim3A_1 : vector<16xf32> to vector<1x1x16xf32>
      tpu.vector_store %arg8[%swap3A_91, %swap3A_92, %swap3A_93], %swap3A_96 {strides = array<i32>} : memref<2x128x128xf32, #tpu.memory_space<vmem>>, vector<1x1x16xf32>,
      %swap3A_97 = arith.constant 0 : i32
      %swap3A_98 = arith.index_cast %swap3A_97 : i32 to index
      %swap3A_99 = arith.index_cast %scan3A_83 : i32 to index
      %swap3A_100 = arith.constant 32 : index
      %swap3A_101 = tpu.vector_load %arg8[%swap3A_98, %swap3A_99, %swap3A_100] {strides = array<i32>} : memref<2x128x128xf32, #tpu.memory_space<vmem>>, vector<1x1x16xf32>,
      %swap3A_102 = vector.shape_cast %swap3A_101 : vector<1x1x16xf32> to vector<16xf32>
      %swap3A_103 = vector.shape_cast %broadcast_in_dim3A_1 : vector<16xf32> to vector<1x1x16xf32>
      tpu.vector_store %arg8[%swap3A_98, %swap3A_99, %swap3A_100], %swap3A_103 {strides = array<i32>} : memref<2x128x128xf32, #tpu.memory_space<vmem>>, vector<1x1x16xf32>,
      %swap3A_104 = arith.constant 0 : i32
      %swap3A_105 = arith.index_cast %swap3A_104 : i32 to index
      %swap3A_106 = arith.index_cast %scan3A_83 : i32 to index
      %swap3A_107 = arith.constant 48 : index
      %swap3A_108 = tpu.vector_load %arg8[%swap3A_105, %swap3A_106, %swap3A_107] {strides = array<i32>} : memref<2x128x128xf32, #tpu.memory_space<vmem>>, vector<1x1x16xf32>,
      %swap3A_109 = vector.shape_cast %swap3A_108 : vector<1x1x16xf32> to vector<16xf32>
      %swap3A_110 = vector.shape_cast %broadcast_in_dim3A_1 : vector<16xf32> to vector<1x1x16xf32>
      tpu.vector_store %arg8[%swap3A_105, %swap3A_106, %swap3A_107], %swap3A_110 {strides = array<i32>} : memref<2x128x128xf32, #tpu.memory_space<vmem>>, vector<1x1x16xf32>,
      %swap3A_111 = arith.constant 0 : i32
      %swap3A_112 = arith.index_cast %swap3A_111 : i32 to index
      %swap3A_113 = arith.index_cast %scan3A_83 : i32 to index
      %swap3A_114 = arith.constant 64 : index
      %swap3A_115 = tpu.vector_load %arg8[%swap3A_112, %swap3A_113, %swap3A_114] {strides = array<i32>} : memref<2x128x128xf32, #tpu.memory_space<vmem>>, vector<1x1x16xf32>,
      %swap3A_116 = vector.shape_cast %swap3A_115 : vector<1x1x16xf32> to vector<16xf32>
      %swap3A_117 = vector.shape_cast %broadcast_in_dim3A_1 : vector<16xf32> to vector<1x1x16xf32>
      tpu.vector_store %arg8[%swap3A_112, %swap3A_113, %swap3A_114], %swap3A_117 {strides = array<i32>} : memref<2x128x128xf32, #tpu.memory_space<vmem>>, vector<1x1x16xf32>,
      %swap3A_118 = arith.constant 0 : i32
      %swap3A_119 = arith.index_cast %swap3A_118 : i32 to index
      %swap3A_120 = arith.index_cast %scan3A_83 : i32 to index
      %swap3A_121 = arith.constant 80 : index
      %swap3A_122 = tpu.vector_load %arg8[%swap3A_119, %swap3A_120, %swap3A_121] {strides = array<i32>} : memref<2x128x128xf32, #tpu.memory_space<vmem>>, vector<1x1x16xf32>,
      %swap3A_123 = vector.shape_cast %swap3A_122 : vector<1x1x16xf32> to vector<16xf32>
      %swap3A_124 = vector.shape_cast %broadcast_in_dim3A_1 : vector<16xf32> to vector<1x1x16xf32>
      tpu.vector_store %arg8[%swap3A_119, %swap3A_120, %swap3A_121], %swap3A_124 {strides = array<i32>} : memref<2x128x128xf32, #tpu.memory_space<vmem>>, vector<1x1x16xf32>,
      %swap3A_125 = arith.constant 0 : i32
      %swap3A_126 = arith.index_cast %swap3A_125 : i32 to index
      %swap3A_127 = arith.index_cast %scan3A_83 : i32 to index
      %swap3A_128 = arith.constant 96 : index
      %swap3A_129 = tpu.vector_load %arg8[%swap3A_126, %swap3A_127, %swap3A_128] {strides = array<i32>} : memref<2x128x128xf32, #tpu.memory_space<vmem>>, vector<1x1x16xf32>,
      %swap3A_130 = vector.shape_cast %swap3A_129 : vector<1x1x16xf32> to vector<16xf32>
      %swap3A_131 = vector.shape_cast %broadcast_in_dim3A_1 : vector<16xf32> to vector<1x1x16xf32>
      tpu.vector_store %arg8[%swap3A_126, %swap3A_127, %swap3A_128], %swap3A_131 {strides = array<i32>} : memref<2x128x128xf32, #tpu.memory_space<vmem>>, vector<1x1x16xf32>,
      %swap3A_132 = arith.constant 0 : i32
      %swap3A_133 = arith.index_cast %swap3A_132 : i32 to index
      %swap3A_134 = arith.index_cast %scan3A_83 : i32 to index
      %swap3A_135 = arith.constant 112 : index
      %swap3A_136 = tpu.vector_load %arg8[%swap3A_133, %swap3A_134, %swap3A_135] {strides = array<i32>} : memref<2x128x128xf32, #tpu.memory_space<vmem>>, vector<1x1x16xf32>,
      %swap3A_137 = vector.shape_cast %swap3A_136 : vector<1x1x16xf32> to vector<16xf32>
      %swap3A_138 = vector.shape_cast %broadcast_in_dim3A_1 : vector<16xf32> to vector<1x1x16xf32>
      tpu.vector_store %arg8[%swap3A_133, %swap3A_134, %swap3A_135], %swap3A_138 {strides = array<i32>} : memref<2x128x128xf32, #tpu.memory_space<vmem>>, vector<1x1x16xf32>,
    }
    %scan3A_6 = arith.constant 128 : i32
    %mul3A_7 = arith.constant 632 : i32
    %mul3A_8 = arith.muli %arg1, %mul3A_7 : i32
    %add3A_9 = arith.constant 0 : i32
    %add3A_10 = arith.addi %mul3A_8, %add3A_9 : i32
    %run_scoped3A = arith.constant 0 : i32
    "tpu.region"() ({
      %run_scoped3A_83 = tpu.sem_alloc : memref<!tpu.dma_semaphore, #tpu.memory_space<semaphore_mem>>
      %dma_start3A_84 = arith.constant 0 : i32
      %dma_start3A_85 = arith.constant 0 : i32
      %dma_start3A_86 = tpu.memref_slice %arg8[%run_scoped3A, %dma_start3A_84, %dma_start3A_85] : memref<2x128x128xf32, #tpu.memory_space<vmem>> -> memref<1x128x128xf32, #tpu.memory_space<vmem>>
      %dma_start3A_87 = tpu.memref_squeeze %dma_start3A_86 : memref<1x128x128xf32, #tpu.memory_space<vmem>> -> memref<128x128xf32, #tpu.memory_space<vmem>>
      %dma_start3A_88 = arith.constant 0 : i32
      %dma_start3A_89 = tpu.memref_slice %arg9[%add3A_10, %dma_start3A_88] : memref<10112x128xf32, #tpu.memory_space<vmem_shared>> -> memref<128x128xf32, #tpu.memory_space<vmem_shared>>
      %dma_start3A_90 = arith.constant 0 : i32
      %dma_start3A_91 = tpu.memref_slice %arg9[%add3A_10, %dma_start3A_90] : memref<10112x128xf32, #tpu.memory_space<vmem_shared>> -> memref<128x128xf32, #tpu.memory_space<vmem_shared>>
      %dma_start3A_92 = arith.constant 0 : i32
      %dma_start3A_93 = arith.constant 0 : i32
      %dma_start3A_94 = tpu.memref_slice %arg8[%run_scoped3A, %dma_start3A_92, %dma_start3A_93] : memref<2x128x128xf32, #tpu.memory_space<vmem>> -> memref<1x128x128xf32, #tpu.memory_space<vmem>>
      %dma_start3A_95 = tpu.memref_squeeze %dma_start3A_94 : memref<1x128x128xf32, #tpu.memory_space<vmem>> -> memref<128x128xf32, #tpu.memory_space<vmem>>
      tpu.enqueue_dma source(%dma_start3A_95 : memref<128x128xf32, #tpu.memory_space<vmem>>) target(%dma_start3A_91 : memref<128x128xf32, #tpu.memory_space<vmem_shared>>) target_semaphore(%run_scoped3A_83 : memref<!tpu.dma_semaphore, #tpu.memory_space<semaphore_mem>>)
      %dma_wait3A = arith.constant 0 : i32
      %dma_wait3A_96 = arith.constant 0 : i32
      %dma_wait3A_97 = tpu.memref_slice %arg8[%run_scoped3A, %dma_wait3A, %dma_wait3A_96] : memref<2x128x128xf32, #tpu.memory_space<vmem>> -> memref<1x128x128xf32, #tpu.memory_space<vmem>>
      %dma_wait3A_98 = tpu.memref_squeeze %dma_wait3A_97 : memref<1x128x128xf32, #tpu.memory_space<vmem>> -> memref<128x128xf32, #tpu.memory_space<vmem>>
      %dma_wait3A_99 = arith.constant 0 : i32
      %dma_wait3A_100 = tpu.memref_slice %arg9[%add3A_10, %dma_wait3A_99] : memref<10112x128xf32, #tpu.memory_space<vmem_shared>> -> memref<128x128xf32, #tpu.memory_space<vmem_shared>>
      %dma_wait3A_101 = arith.constant 0 : i32
      %dma_wait3A_102 = tpu.memref_slice %arg9[%add3A_10, %dma_wait3A_101] : memref<10112x128xf32, #tpu.memory_space<vmem_shared>> -> memref<128x128xf32, #tpu.memory_space<vmem_shared>>
      %dma_wait3A_103 = arith.constant 0 : i32
      %dma_wait3A_104 = arith.constant 0 : i32
      %dma_wait3A_105 = tpu.memref_slice %arg8[%run_scoped3A, %dma_wait3A_103, %dma_wait3A_104] : memref<2x128x128xf32, #tpu.memory_space<vmem>> -> memref<1x128x128xf32, #tpu.memory_space<vmem>>
      %dma_wait3A_106 = tpu.memref_squeeze %dma_wait3A_105 : memref<1x128x128xf32, #tpu.memory_space<vmem>> -> memref<128x128xf32, #tpu.memory_space<vmem>>
      tpu.wait_dma2 semaphore(%run_scoped3A_83 : memref<!tpu.dma_semaphore, #tpu.memory_space<semaphore_mem>>) src(%dma_wait3A_106 : memref<128x128xf32, #tpu.memory_space<vmem>>) dst(%dma_wait3A_102 : memref<128x128xf32, #tpu.memory_space<vmem_shared>>)
      tpu.yield
    }) : () -> ()
    %add3A_11 = arith.constant 128 : i32
    %add3A_12 = arith.addi %mul3A_8, %add3A_11 : i32
    %run_scoped3A_13 = arith.constant 0 : i32
    "tpu.region"() ({
      %run_scoped3A_83 = tpu.sem_alloc : memref<!tpu.dma_semaphore, #tpu.memory_space<semaphore_mem>>
      %dma_start3A_84 = arith.constant 0 : i32
      %dma_start3A_85 = arith.constant 0 : i32
      %dma_start3A_86 = tpu.memref_slice %arg8[%run_scoped3A_13, %dma_start3A_84, %dma_start3A_85] : memref<2x128x128xf32, #tpu.memory_space<vmem>> -> memref<1x128x128xf32, #tpu.memory_space<vmem>>
      %dma_start3A_87 = tpu.memref_squeeze %dma_start3A_86 : memref<1x128x128xf32, #tpu.memory_space<vmem>> -> memref<128x128xf32, #tpu.memory_space<vmem>>
      %dma_start3A_88 = arith.constant 0 : i32
      %dma_start3A_89 = tpu.memref_slice %arg9[%add3A_12, %dma_start3A_88] : memref<10112x128xf32, #tpu.memory_space<vmem_shared>> -> memref<128x128xf32, #tpu.memory_space<vmem_shared>>
      %dma_start3A_90 = arith.constant 0 : i32
      %dma_start3A_91 = tpu.memref_slice %arg9[%add3A_12, %dma_start3A_90] : memref<10112x128xf32, #tpu.memory_space<vmem_shared>> -> memref<128x128xf32, #tpu.memory_space<vmem_shared>>
      %dma_start3A_92 = arith.constant 0 : i32
      %dma_start3A_93 = arith.constant 0 : i32
      %dma_start3A_94 = tpu.memref_slice %arg8[%run_scoped3A_13, %dma_start3A_92, %dma_start3A_93] : memref<2x128x128xf32, #tpu.memory_space<vmem>> -> memref<1x128x128xf32, #tpu.memory_space<vmem>>
      %dma_start3A_95 = tpu.memref_squeeze %dma_start3A_94 : memref<1x128x128xf32, #tpu.memory_space<vmem>> -> memref<128x128xf32, #tpu.memory_space<vmem>>
      tpu.enqueue_dma source(%dma_start3A_95 : memref<128x128xf32, #tpu.memory_space<vmem>>) target(%dma_start3A_91 : memref<128x128xf32, #tpu.memory_space<vmem_shared>>) target_semaphore(%run_scoped3A_83 : memref<!tpu.dma_semaphore, #tpu.memory_space<semaphore_mem>>)
      %dma_wait3A = arith.constant 0 : i32
      %dma_wait3A_96 = arith.constant 0 : i32
      %dma_wait3A_97 = tpu.memref_slice %arg8[%run_scoped3A_13, %dma_wait3A, %dma_wait3A_96] : memref<2x128x128xf32, #tpu.memory_space<vmem>> -> memref<1x128x128xf32, #tpu.memory_space<vmem>>
      %dma_wait3A_98 = tpu.memref_squeeze %dma_wait3A_97 : memref<1x128x128xf32, #tpu.memory_space<vmem>> -> memref<128x128xf32, #tpu.memory_space<vmem>>
      %dma_wait3A_99 = arith.constant 0 : i32
      %dma_wait3A_100 = tpu.memref_slice %arg9[%add3A_12, %dma_wait3A_99] : memref<10112x128xf32, #tpu.memory_space<vmem_shared>> -> memref<128x128xf32, #tpu.memory_space<vmem_shared>>
      %dma_wait3A_101 = arith.constant 0 : i32
      %dma_wait3A_102 = tpu.memref_slice %arg9[%add3A_12, %dma_wait3A_101] : memref<10112x128xf32, #tpu.memory_space<vmem_shared>> -> memref<128x128xf32, #tpu.memory_space<vmem_shared>>
      %dma_wait3A_103 = arith.constant 0 : i32
      %dma_wait3A_104 = arith.constant 0 : i32
      %dma_wait3A_105 = tpu.memref_slice %arg8[%run_scoped3A_13, %dma_wait3A_103, %dma_wait3A_104] : memref<2x128x128xf32, #tpu.memory_space<vmem>> -> memref<1x128x128xf32, #tpu.memory_space<vmem>>
      %dma_wait3A_106 = tpu.memref_squeeze %dma_wait3A_105 : memref<1x128x128xf32, #tpu.memory_space<vmem>> -> memref<128x128xf32, #tpu.memory_space<vmem>>
      tpu.wait_dma2 semaphore(%run_scoped3A_83 : memref<!tpu.dma_semaphore, #tpu.memory_space<semaphore_mem>>) src(%dma_wait3A_106 : memref<128x128xf32, #tpu.memory_space<vmem>>) dst(%dma_wait3A_102 : memref<128x128xf32, #tpu.memory_space<vmem_shared>>)
      tpu.yield
    }) : () -> ()
    %add3A_14 = arith.constant 256 : i32
    %add3A_15 = arith.addi %mul3A_8, %add3A_14 : i32
    %run_scoped3A_16 = arith.constant 0 : i32
    "tpu.region"() ({
      %run_scoped3A_83 = tpu.sem_alloc : memref<!tpu.dma_semaphore, #tpu.memory_space<semaphore_mem>>
      %dma_start3A_84 = arith.constant 0 : i32
      %dma_start3A_85 = arith.constant 0 : i32
      %dma_start3A_86 = tpu.memref_slice %arg8[%run_scoped3A_16, %dma_start3A_84, %dma_start3A_85] : memref<2x128x128xf32, #tpu.memory_space<vmem>> -> memref<1x128x128xf32, #tpu.memory_space<vmem>>
      %dma_start3A_87 = tpu.memref_squeeze %dma_start3A_86 : memref<1x128x128xf32, #tpu.memory_space<vmem>> -> memref<128x128xf32, #tpu.memory_space<vmem>>
      %dma_start3A_88 = arith.constant 0 : i32
      %dma_start3A_89 = tpu.memref_slice %arg9[%add3A_15, %dma_start3A_88] : memref<10112x128xf32, #tpu.memory_space<vmem_shared>> -> memref<128x128xf32, #tpu.memory_space<vmem_shared>>
      %dma_start3A_90 = arith.constant 0 : i32
      %dma_start3A_91 = tpu.memref_slice %arg9[%add3A_15, %dma_start3A_90] : memref<10112x128xf32, #tpu.memory_space<vmem_shared>> -> memref<128x128xf32, #tpu.memory_space<vmem_shared>>
      %dma_start3A_92 = arith.constant 0 : i32
      %dma_start3A_93 = arith.constant 0 : i32
      %dma_start3A_94 = tpu.memref_slice %arg8[%run_scoped3A_16, %dma_start3A_92, %dma_start3A_93] : memref<2x128x128xf32, #tpu.memory_space<vmem>> -> memref<1x128x128xf32, #tpu.memory_space<vmem>>
      %dma_start3A_95 = tpu.memref_squeeze %dma_start3A_94 : memref<1x128x128xf32, #tpu.memory_space<vmem>> -> memref<128x128xf32, #tpu.memory_space<vmem>>
      tpu.enqueue_dma source(%dma_start3A_95 : memref<128x128xf32, #tpu.memory_space<vmem>>) target(%dma_start3A_91 : memref<128x128xf32, #tpu.memory_space<vmem_shared>>) target_semaphore(%run_scoped3A_83 : memref<!tpu.dma_semaphore, #tpu.memory_space<semaphore_mem>>)
      %dma_wait3A = arith.constant 0 : i32
      %dma_wait3A_96 = arith.constant 0 : i32
      %dma_wait3A_97 = tpu.memref_slice %arg8[%run_scoped3A_16, %dma_wait3A, %dma_wait3A_96] : memref<2x128x128xf32, #tpu.memory_space<vmem>> -> memref<1x128x128xf32, #tpu.memory_space<vmem>>
      %dma_wait3A_98 = tpu.memref_squeeze %dma_wait3A_97 : memref<1x128x128xf32, #tpu.memory_space<vmem>> -> memref<128x128xf32, #tpu.memory_space<vmem>>
      %dma_wait3A_99 = arith.constant 0 : i32
      %dma_wait3A_100 = tpu.memref_slice %arg9[%add3A_15, %dma_wait3A_99] : memref<10112x128xf32, #tpu.memory_space<vmem_shared>> -> memref<128x128xf32, #tpu.memory_space<vmem_shared>>
      %dma_wait3A_101 = arith.constant 0 : i32
      %dma_wait3A_102 = tpu.memref_slice %arg9[%add3A_15, %dma_wait3A_101] : memref<10112x128xf32, #tpu.memory_space<vmem_shared>> -> memref<128x128xf32, #tpu.memory_space<vmem_shared>>
      %dma_wait3A_103 = arith.constant 0 : i32
      %dma_wait3A_104 = arith.constant 0 : i32
      %dma_wait3A_105 = tpu.memref_slice %arg8[%run_scoped3A_16, %dma_wait3A_103, %dma_wait3A_104] : memref<2x128x128xf32, #tpu.memory_space<vmem>> -> memref<1x128x128xf32, #tpu.memory_space<vmem>>
      %dma_wait3A_106 = tpu.memref_squeeze %dma_wait3A_105 : memref<1x128x128xf32, #tpu.memory_space<vmem>> -> memref<128x128xf32, #tpu.memory_space<vmem>>
      tpu.wait_dma2 semaphore(%run_scoped3A_83 : memref<!tpu.dma_semaphore, #tpu.memory_space<semaphore_mem>>) src(%dma_wait3A_106 : memref<128x128xf32, #tpu.memory_space<vmem>>) dst(%dma_wait3A_102 : memref<128x128xf32, #tpu.memory_space<vmem_shared>>)
      tpu.yield
    }) : () -> ()
    %add3A_17 = arith.constant 384 : i32
    %add3A_18 = arith.addi %mul3A_8, %add3A_17 : i32
    %run_scoped3A_19 = arith.constant 0 : i32
    "tpu.region"() ({
      %run_scoped3A_83 = tpu.sem_alloc : memref<!tpu.dma_semaphore, #tpu.memory_space<semaphore_mem>>
      %dma_start3A_84 = arith.constant 0 : i32
      %dma_start3A_85 = arith.constant 0 : i32
      %dma_start3A_86 = tpu.memref_slice %arg8[%run_scoped3A_19, %dma_start3A_84, %dma_start3A_85] : memref<2x128x128xf32, #tpu.memory_space<vmem>> -> memref<1x128x128xf32, #tpu.memory_space<vmem>>
      %dma_start3A_87 = tpu.memref_squeeze %dma_start3A_86 : memref<1x128x128xf32, #tpu.memory_space<vmem>> -> memref<128x128xf32, #tpu.memory_space<vmem>>
      %dma_start3A_88 = arith.constant 0 : i32
      %dma_start3A_89 = tpu.memref_slice %arg9[%add3A_18, %dma_start3A_88] : memref<10112x128xf32, #tpu.memory_space<vmem_shared>> -> memref<128x128xf32, #tpu.memory_space<vmem_shared>>
      %dma_start3A_90 = arith.constant 0 : i32
      %dma_start3A_91 = tpu.memref_slice %arg9[%add3A_18, %dma_start3A_90] : memref<10112x128xf32, #tpu.memory_space<vmem_shared>> -> memref<128x128xf32, #tpu.memory_space<vmem_shared>>
      %dma_start3A_92 = arith.constant 0 : i32
      %dma_start3A_93 = arith.constant 0 : i32
      %dma_start3A_94 = tpu.memref_slice %arg8[%run_scoped3A_19, %dma_start3A_92, %dma_start3A_93] : memref<2x128x128xf32, #tpu.memory_space<vmem>> -> memref<1x128x128xf32, #tpu.memory_space<vmem>>
      %dma_start3A_95 = tpu.memref_squeeze %dma_start3A_94 : memref<1x128x128xf32, #tpu.memory_space<vmem>> -> memref<128x128xf32, #tpu.memory_space<vmem>>
      tpu.enqueue_dma source(%dma_start3A_95 : memref<128x128xf32, #tpu.memory_space<vmem>>) target(%dma_start3A_91 : memref<128x128xf32, #tpu.memory_space<vmem_shared>>) target_semaphore(%run_scoped3A_83 : memref<!tpu.dma_semaphore, #tpu.memory_space<semaphore_mem>>)
      %dma_wait3A = arith.constant 0 : i32
      %dma_wait3A_96 = arith.constant 0 : i32
      %dma_wait3A_97 = tpu.memref_slice %arg8[%run_scoped3A_19, %dma_wait3A, %dma_wait3A_96] : memref<2x128x128xf32, #tpu.memory_space<vmem>> -> memref<1x128x128xf32, #tpu.memory_space<vmem>>
      %dma_wait3A_98 = tpu.memref_squeeze %dma_wait3A_97 : memref<1x128x128xf32, #tpu.memory_space<vmem>> -> memref<128x128xf32, #tpu.memory_space<vmem>>
      %dma_wait3A_99 = arith.constant 0 : i32
      %dma_wait3A_100 = tpu.memref_slice %arg9[%add3A_18, %dma_wait3A_99] : memref<10112x128xf32, #tpu.memory_space<vmem_shared>> -> memref<128x128xf32, #tpu.memory_space<vmem_shared>>
      %dma_wait3A_101 = arith.constant 0 : i32
      %dma_wait3A_102 = tpu.memref_slice %arg9[%add3A_18, %dma_wait3A_101] : memref<10112x128xf32, #tpu.memory_space<vmem_shared>> -> memref<128x128xf32, #tpu.memory_space<vmem_shared>>
      %dma_wait3A_103 = arith.constant 0 : i32
      %dma_wait3A_104 = arith.constant 0 : i32
      %dma_wait3A_105 = tpu.memref_slice %arg8[%run_scoped3A_19, %dma_wait3A_103, %dma_wait3A_104] : memref<2x128x128xf32, #tpu.memory_space<vmem>> -> memref<1x128x128xf32, #tpu.memory_space<vmem>>
      %dma_wait3A_106 = tpu.memref_squeeze %dma_wait3A_105 : memref<1x128x128xf32, #tpu.memory_space<vmem>> -> memref<128x128xf32, #tpu.memory_space<vmem>>
      tpu.wait_dma2 semaphore(%run_scoped3A_83 : memref<!tpu.dma_semaphore, #tpu.memory_space<semaphore_mem>>) src(%dma_wait3A_106 : memref<128x128xf32, #tpu.memory_space<vmem>>) dst(%dma_wait3A_102 : memref<128x128xf32, #tpu.memory_space<vmem_shared>>)
      tpu.yield
    }) : () -> ()
    %add3A_20 = arith.constant 512 : i32
    %add3A_21 = arith.addi %mul3A_8, %add3A_20 : i32
    %run_scoped3A_22 = arith.constant 0 : i32
    "tpu.region"() ({
      %run_scoped3A_83 = tpu.sem_alloc : memref<!tpu.dma_semaphore, #tpu.memory_space<semaphore_mem>>
      %dma_start3A_84 = arith.constant 0 : i32
      %dma_start3A_85 = arith.constant 0 : i32
      %dma_start3A_86 = tpu.memref_slice %arg8[%run_scoped3A_22, %dma_start3A_84, %dma_start3A_85] : memref<2x128x128xf32, #tpu.memory_space<vmem>> -> memref<1x120x128xf32, #tpu.memory_space<vmem>>
      %dma_start3A_87 = tpu.memref_squeeze %dma_start3A_86 : memref<1x120x128xf32, #tpu.memory_space<vmem>> -> memref<120x128xf32, #tpu.memory_space<vmem>>
      %dma_start3A_88 = arith.constant 0 : i32
      %dma_start3A_89 = tpu.memref_slice %arg9[%add3A_21, %dma_start3A_88] : memref<10112x128xf32, #tpu.memory_space<vmem_shared>> -> memref<120x128xf32, #tpu.memory_space<vmem_shared>>
      %dma_start3A_90 = arith.constant 0 : i32
      %dma_start3A_91 = tpu.memref_slice %arg9[%add3A_21, %dma_start3A_90] : memref<10112x128xf32, #tpu.memory_space<vmem_shared>> -> memref<120x128xf32, #tpu.memory_space<vmem_shared>>
      %dma_start3A_92 = arith.constant 0 : i32
      %dma_start3A_93 = arith.constant 0 : i32
      %dma_start3A_94 = tpu.memref_slice %arg8[%run_scoped3A_22, %dma_start3A_92, %dma_start3A_93] : memref<2x128x128xf32, #tpu.memory_space<vmem>> -> memref<1x120x128xf32, #tpu.memory_space<vmem>>
      %dma_start3A_95 = tpu.memref_squeeze %dma_start3A_94 : memref<1x120x128xf32, #tpu.memory_space<vmem>> -> memref<120x128xf32, #tpu.memory_space<vmem>>
      tpu.enqueue_dma source(%dma_start3A_95 : memref<120x128xf32, #tpu.memory_space<vmem>>) target(%dma_start3A_91 : memref<120x128xf32, #tpu.memory_space<vmem_shared>>) target_semaphore(%run_scoped3A_83 : memref<!tpu.dma_semaphore, #tpu.memory_space<semaphore_mem>>)
      %dma_wait3A = arith.constant 0 : i32
      %dma_wait3A_96 = arith.constant 0 : i32
      %dma_wait3A_97 = tpu.memref_slice %arg8[%run_scoped3A_22, %dma_wait3A, %dma_wait3A_96] : memref<2x128x128xf32, #tpu.memory_space<vmem>> -> memref<1x120x128xf32, #tpu.memory_space<vmem>>
      %dma_wait3A_98 = tpu.memref_squeeze %dma_wait3A_97 : memref<1x120x128xf32, #tpu.memory_space<vmem>> -> memref<120x128xf32, #tpu.memory_space<vmem>>
      %dma_wait3A_99 = arith.constant 0 : i32
      %dma_wait3A_100 = tpu.memref_slice %arg9[%add3A_21, %dma_wait3A_99] : memref<10112x128xf32, #tpu.memory_space<vmem_shared>> -> memref<120x128xf32, #tpu.memory_space<vmem_shared>>
      %dma_wait3A_101 = arith.constant 0 : i32
      %dma_wait3A_102 = tpu.memref_slice %arg9[%add3A_21, %dma_wait3A_101] : memref<10112x128xf32, #tpu.memory_space<vmem_shared>> -> memref<120x128xf32, #tpu.memory_space<vmem_shared>>
      %dma_wait3A_103 = arith.constant 0 : i32
      %dma_wait3A_104 = arith.constant 0 : i32
      %dma_wait3A_105 = tpu.memref_slice %arg8[%run_scoped3A_22, %dma_wait3A_103, %dma_wait3A_104] : memref<2x128x128xf32, #tpu.memory_space<vmem>> -> memref<1x120x128xf32, #tpu.memory_space<vmem>>
      %dma_wait3A_106 = tpu.memref_squeeze %dma_wait3A_105 : memref<1x120x128xf32, #tpu.memory_space<vmem>> -> memref<120x128xf32, #tpu.memory_space<vmem>>
      tpu.wait_dma2 semaphore(%run_scoped3A_83 : memref<!tpu.dma_semaphore, #tpu.memory_space<semaphore_mem>>) src(%dma_wait3A_106 : memref<120x128xf32, #tpu.memory_space<vmem>>) dst(%dma_wait3A_102 : memref<120x128xf32, #tpu.memory_space<vmem_shared>>)
      tpu.yield
    }) : () -> ()
    %barrier3A = arith.constant 0 : index
    tpu.barrier barrier_id(%barrier3A)
    "tpu.region"() ({
      %run_scoped3A_83 = tpu.sem_alloc : memref<!tpu.dma_semaphore, #tpu.memory_space<semaphore_mem>>
      %dma_start3A_84 = arith.constant 0 : i32
      %dma_start3A_85 = arith.constant 0 : i32
      %dma_start3A_86 = tpu.memref_slice %arg2[%add3A, %dma_start3A_84, %dma_start3A_85] : memref<32x80x128xi32, #tpu.memory_space<hbm>> -> memref<1x40x128xi32, #tpu.memory_space<hbm>>
      %dma_start3A_87 = tpu.memref_squeeze %dma_start3A_86 : memref<1x40x128xi32, #tpu.memory_space<hbm>> -> memref<40x128xi32, #tpu.memory_space<hbm>>
      %dma_start3A_88 = arith.constant 0 : i32
      %dma_start3A_89 = arith.constant 0 : i32
      %dma_start3A_90 = tpu.memref_slice %arg2[%add3A, %dma_start3A_88, %dma_start3A_89] : memref<32x80x128xi32, #tpu.memory_space<hbm>> -> memref<1x40x128xi32, #tpu.memory_space<hbm>>
      %dma_start3A_91 = tpu.memref_squeeze %dma_start3A_90 : memref<1x40x128xi32, #tpu.memory_space<hbm>> -> memref<40x128xi32, #tpu.memory_space<hbm>>
      tpu.enqueue_dma source(%dma_start3A_91 : memref<40x128xi32, #tpu.memory_space<hbm>>) target(%arg6 : memref<40x128xi32, #tpu.memory_space<vmem>>) target_semaphore(%run_scoped3A_83 : memref<!tpu.dma_semaphore, #tpu.memory_space<semaphore_mem>>)
      %dma_wait3A = arith.constant 0 : i32
      %dma_wait3A_92 = arith.constant 0 : i32
      %dma_wait3A_93 = tpu.memref_slice %arg2[%add3A, %dma_wait3A, %dma_wait3A_92] : memref<32x80x128xi32, #tpu.memory_space<hbm>> -> memref<1x40x128xi32, #tpu.memory_space<hbm>>
      %dma_wait3A_94 = tpu.memref_squeeze %dma_wait3A_93 : memref<1x40x128xi32, #tpu.memory_space<hbm>> -> memref<40x128xi32, #tpu.memory_space<hbm>>
      %dma_wait3A_95 = arith.constant 0 : i32
      %dma_wait3A_96 = arith.constant 0 : i32
      %dma_wait3A_97 = tpu.memref_slice %arg2[%add3A, %dma_wait3A_95, %dma_wait3A_96] : memref<32x80x128xi32, #tpu.memory_space<hbm>> -> memref<1x40x128xi32, #tpu.memory_space<hbm>>
      %dma_wait3A_98 = tpu.memref_squeeze %dma_wait3A_97 : memref<1x40x128xi32, #tpu.memory_space<hbm>> -> memref<40x128xi32, #tpu.memory_space<hbm>>
      tpu.wait_dma2 semaphore(%run_scoped3A_83 : memref<!tpu.dma_semaphore, #tpu.memory_space<semaphore_mem>>) src(%dma_wait3A_98 : memref<40x128xi32, #tpu.memory_space<hbm>>) dst(%arg6 : memref<40x128xi32, #tpu.memory_space<vmem>>)
      tpu.yield
    }) : () -> ()
    "tpu.region"() ({
      %run_scoped3A_83 = tpu.sem_alloc : memref<!tpu.dma_semaphore, #tpu.memory_space<semaphore_mem>>
      %dma_start3A_84 = arith.constant 0 : i32
      %dma_start3A_85 = arith.constant 0 : i32
      %dma_start3A_86 = tpu.memref_slice %arg3[%add3A, %dma_start3A_84, %dma_start3A_85] : memref<32x80x128xi32, #tpu.memory_space<hbm>> -> memref<1x40x128xi32, #tpu.memory_space<hbm>>
      %dma_start3A_87 = tpu.memref_squeeze %dma_start3A_86 : memref<1x40x128xi32, #tpu.memory_space<hbm>> -> memref<40x128xi32, #tpu.memory_space<hbm>>
      %dma_start3A_88 = arith.constant 0 : i32
      %dma_start3A_89 = arith.constant 0 : i32
      %dma_start3A_90 = tpu.memref_slice %arg3[%add3A, %dma_start3A_88, %dma_start3A_89] : memref<32x80x128xi32, #tpu.memory_space<hbm>> -> memref<1x40x128xi32, #tpu.memory_space<hbm>>
      %dma_start3A_91 = tpu.memref_squeeze %dma_start3A_90 : memref<1x40x128xi32, #tpu.memory_space<hbm>> -> memref<40x128xi32, #tpu.memory_space<hbm>>
      tpu.enqueue_dma source(%dma_start3A_91 : memref<40x128xi32, #tpu.memory_space<hbm>>) target(%arg7 : memref<40x128xi32, #tpu.memory_space<vmem>>) target_semaphore(%run_scoped3A_83 : memref<!tpu.dma_semaphore, #tpu.memory_space<semaphore_mem>>)
      %dma_wait3A = arith.constant 0 : i32
      %dma_wait3A_92 = arith.constant 0 : i32
      %dma_wait3A_93 = tpu.memref_slice %arg3[%add3A, %dma_wait3A, %dma_wait3A_92] : memref<32x80x128xi32, #tpu.memory_space<hbm>> -> memref<1x40x128xi32, #tpu.memory_space<hbm>>
      %dma_wait3A_94 = tpu.memref_squeeze %dma_wait3A_93 : memref<1x40x128xi32, #tpu.memory_space<hbm>> -> memref<40x128xi32, #tpu.memory_space<hbm>>
      %dma_wait3A_95 = arith.constant 0 : i32
      %dma_wait3A_96 = arith.constant 0 : i32
      %dma_wait3A_97 = tpu.memref_slice %arg3[%add3A, %dma_wait3A_95, %dma_wait3A_96] : memref<32x80x128xi32, #tpu.memory_space<hbm>> -> memref<1x40x128xi32, #tpu.memory_space<hbm>>
      %dma_wait3A_98 = tpu.memref_squeeze %dma_wait3A_97 : memref<1x40x128xi32, #tpu.memory_space<hbm>> -> memref<40x128xi32, #tpu.memory_space<hbm>>
      tpu.wait_dma2 semaphore(%run_scoped3A_83 : memref<!tpu.dma_semaphore, #tpu.memory_space<semaphore_mem>>) src(%dma_wait3A_98 : memref<40x128xi32, #tpu.memory_space<hbm>>) dst(%arg7 : memref<40x128xi32, #tpu.memory_space<vmem>>)
      tpu.yield
    }) : () -> ()
    %dma_start3A = arith.constant 0 : i32
    %dma_start3A_23 = arith.constant 0 : i32
    %dma_start3A_24 = arith.constant 0 : i32
    %dma_start3A_25 = arith.constant 0 : i32
    %dma_start3A_26 = tpu.memref_slice %arg8[%dma_start3A_23, %dma_start3A_24, %dma_start3A_25] : memref<2x128x128xf32, #tpu.memory_space<vmem>> -> memref<1x128x128xf32, #tpu.memory_space<vmem>>
    %dma_start3A_27 = tpu.memref_squeeze %dma_start3A_26 : memref<1x128x128xf32, #tpu.memory_space<vmem>> -> memref<128x128xf32, #tpu.memory_space<vmem>>
    %dma_start3A_28 = arith.constant 0 : i32
    %dma_start3A_29 = tpu.memref_slice %arg6[%dma_start3A, %dma_start3A_28] : memref<40x128xi32, #tpu.memory_space<vmem>> -> memref<1x128xi32, #tpu.memory_space<vmem>>
    %dma_start3A_30 = tpu.memref_squeeze %dma_start3A_29 : memref<1x128xi32, #tpu.memory_space<vmem>> -> memref<128xi32, #tpu.memory_space<vmem>>
    %dma_start3A_31 = arith.constant 0 : i32
    %dma_start3A_32 = arith.constant 0 : i32
    %dma_start3A_33 = tpu.memref_slice %arg4[%dma_start3A_31, %dma_start3A_32] : memref<10000x128xf32, #tpu.memory_space<hbm>> -> memref<10000x128xf32, #tpu.memory_space<hbm>>
    tpu.enqueue_indirect_dma source(%dma_start3A_33 : memref<10000x128xf32, #tpu.memory_space<hbm>>) target(%dma_start3A_27 : memref<128x128xf32, #tpu.memory_space<vmem>>) offsets(%dma_start3A_30 : memref<128xi32, #tpu.memory_space<vmem>>) semaphore(%arg10 : memref<!tpu.dma_semaphore, #tpu.memory_space<semaphore_mem>>)
    %dma_start3A_34 = arith.constant 1 : i32
    %dma_start3A_35 = arith.constant 1 : i32
    %dma_start3A_36 = arith.constant 0 : i32
    %dma_start3A_37 = arith.constant 0 : i32
    %dma_start3A_38 = tpu.memref_slice %arg8[%dma_start3A_35, %dma_start3A_36, %dma_start3A_37] : memref<2x128x128xf32, #tpu.memory_space<vmem>> -> memref<1x128x128xf32, #tpu.memory_space<vmem>>
    %dma_start3A_39 = tpu.memref_squeeze %dma_start3A_38 : memref<1x128x128xf32, #tpu.memory_space<vmem>> -> memref<128x128xf32, #tpu.memory_space<vmem>>
    %dma_start3A_40 = arith.constant 0 : i32
    %dma_start3A_41 = tpu.memref_slice %arg6[%dma_start3A_34, %dma_start3A_40] : memref<40x128xi32, #tpu.memory_space<vmem>> -> memref<1x128xi32, #tpu.memory_space<vmem>>
    %dma_start3A_42 = tpu.memref_squeeze %dma_start3A_41 : memref<1x128xi32, #tpu.memory_space<vmem>> -> memref<128xi32, #tpu.memory_space<vmem>>
    %dma_start3A_43 = arith.constant 0 : i32
    %dma_start3A_44 = arith.constant 0 : i32
    %dma_start3A_45 = tpu.memref_slice %arg4[%dma_start3A_43, %dma_start3A_44] : memref<10000x128xf32, #tpu.memory_space<hbm>> -> memref<10000x128xf32, #tpu.memory_space<hbm>>
    tpu.enqueue_indirect_dma source(%dma_start3A_45 : memref<10000x128xf32, #tpu.memory_space<hbm>>) target(%dma_start3A_39 : memref<128x128xf32, #tpu.memory_space<vmem>>) offsets(%dma_start3A_42 : memref<128xi32, #tpu.memory_space<vmem>>) semaphore(%arg11 : memref<!tpu.dma_semaphore, #tpu.memory_space<semaphore_mem>>)
    %scan3A_46 = arith.constant 0 : i32
    %scan3A_47 = arith.constant 0 : i32
    %scan3A_48 = arith.constant 20 : i32
    %scan3A_49 = arith.addi %scan3A_47, %scan3A_48 : i32
    %scan3A_50 = arith.constant 1 : i32
    scf.for %scan3A_83 = %scan3A_47 to %scan3A_49 step %scan3A_50  : i32 {
      %mul3A_84 = arith.constant 2 : i32
      %mul3A_85 = arith.muli %mul3A_84, %scan3A_83 : i32
      %add3A_86 = arith.constant 1 : i32
      %add3A_87 = arith.addi %mul3A_85, %add3A_86 : i32
      %dma_wait3A = arith.constant 0 : i32
      %dma_wait3A_88 = arith.constant 0 : i32
      %dma_wait3A_89 = arith.constant 0 : i32
      %dma_wait3A_90 = tpu.memref_slice %arg8[%dma_wait3A, %dma_wait3A_88, %dma_wait3A_89] : memref<2x128x128xf32, #tpu.memory_space<vmem>> -> memref<1x128x128xf32, #tpu.memory_space<vmem>>
      %dma_wait3A_91 = tpu.memref_squeeze %dma_wait3A_90 : memref<1x128x128xf32, #tpu.memory_space<vmem>> -> memref<128x128xf32, #tpu.memory_space<vmem>>
      %dma_wait3A_92 = arith.constant 0 : i32
      %dma_wait3A_93 = tpu.memref_slice %arg6[%mul3A_85, %dma_wait3A_92] : memref<40x128xi32, #tpu.memory_space<vmem>> -> memref<1x128xi32, #tpu.memory_space<vmem>>
      %dma_wait3A_94 = tpu.memref_squeeze %dma_wait3A_93 : memref<1x128xi32, #tpu.memory_space<vmem>> -> memref<128xi32, #tpu.memory_space<vmem>>
      %dma_wait3A_95 = arith.constant 0 : i32
      %dma_wait3A_96 = arith.constant 0 : i32
      %dma_wait3A_97 = tpu.memref_slice %arg4[%dma_wait3A_95, %dma_wait3A_96] : memref<10000x128xf32, #tpu.memory_space<hbm>> -> memref<10000x128xf32, #tpu.memory_space<hbm>>
      tpu.wait_indirect_dma semaphore(%arg10 : memref<!tpu.dma_semaphore, #tpu.memory_space<semaphore_mem>>) src(%dma_wait3A_97 : memref<10000x128xf32, #tpu.memory_space<hbm>>) dst(%dma_wait3A_91 : memref<128x128xf32, #tpu.memory_space<vmem>>)
      %run_scoped3A_98 = arith.constant 0 : i32
      "tpu.region"() ({
        %run_scoped3A_122 = tpu.sem_alloc : memref<!tpu.dma_semaphore, #tpu.memory_space<semaphore_mem>>
        %dma_start3A_123 = arith.constant 0 : i32
        %dma_start3A_124 = arith.constant 0 : i32
        %dma_start3A_125 = tpu.memref_slice %arg8[%run_scoped3A_98, %dma_start3A_123, %dma_start3A_124] : memref<2x128x128xf32, #tpu.memory_space<vmem>> -> memref<1x128x128xf32, #tpu.memory_space<vmem>>
        %dma_start3A_126 = tpu.memref_squeeze %dma_start3A_125 : memref<1x128x128xf32, #tpu.memory_space<vmem>> -> memref<128x128xf32, #tpu.memory_space<vmem>>
        %dma_start3A_127 = arith.constant 0 : i32
        %dma_start3A_128 = tpu.memref_slice %arg7[%mul3A_85, %dma_start3A_127] : memref<40x128xi32, #tpu.memory_space<vmem>> -> memref<1x128xi32, #tpu.memory_space<vmem>>
        %dma_start3A_129 = tpu.memref_squeeze %dma_start3A_128 : memref<1x128xi32, #tpu.memory_space<vmem>> -> memref<128xi32, #tpu.memory_space<vmem>>
        %dma_start3A_130 = arith.constant 0 : i32
        %dma_start3A_131 = arith.constant 0 : i32
        %dma_start3A_132 = tpu.memref_slice %arg9[%dma_start3A_130, %dma_start3A_131] : memref<10112x128xf32, #tpu.memory_space<vmem_shared>> -> memref<10112x128xf32, #tpu.memory_space<vmem_shared>>
        tpu.enqueue_indirect_dma source(%dma_start3A_126 : memref<128x128xf32, #tpu.memory_space<vmem>>) target(%dma_start3A_132 : memref<10112x128xf32, #tpu.memory_space<vmem_shared>>) offsets(%dma_start3A_129 : memref<128xi32, #tpu.memory_space<vmem>>) semaphore(%run_scoped3A_122 : memref<!tpu.dma_semaphore, #tpu.memory_space<semaphore_mem>>) {add = true}
        %dma_wait3A_133 = arith.constant 0 : i32
        %dma_wait3A_134 = arith.constant 0 : i32
        %dma_wait3A_135 = tpu.memref_slice %arg8[%run_scoped3A_98, %dma_wait3A_133, %dma_wait3A_134] : memref<2x128x128xf32, #tpu.memory_space<vmem>> -> memref<1x128x128xf32, #tpu.memory_space<vmem>>
        %dma_wait3A_136 = tpu.memref_squeeze %dma_wait3A_135 : memref<1x128x128xf32, #tpu.memory_space<vmem>> -> memref<128x128xf32, #tpu.memory_space<vmem>>
        %dma_wait3A_137 = arith.constant 0 : i32
        %dma_wait3A_138 = tpu.memref_slice %arg7[%mul3A_85, %dma_wait3A_137] : memref<40x128xi32, #tpu.memory_space<vmem>> -> memref<1x128xi32, #tpu.memory_space<vmem>>
        %dma_wait3A_139 = tpu.memref_squeeze %dma_wait3A_138 : memref<1x128xi32, #tpu.memory_space<vmem>> -> memref<128xi32, #tpu.memory_space<vmem>>
        %dma_wait3A_140 = arith.constant 0 : i32
        %dma_wait3A_141 = arith.constant 0 : i32
        %dma_wait3A_142 = tpu.memref_slice %arg9[%dma_wait3A_140, %dma_wait3A_141] : memref<10112x128xf32, #tpu.memory_space<vmem_shared>> -> memref<10112x128xf32, #tpu.memory_space<vmem_shared>>
        tpu.wait_indirect_dma semaphore(%run_scoped3A_122 : memref<!tpu.dma_semaphore, #tpu.memory_space<semaphore_mem>>) src(%dma_wait3A_136 : memref<128x128xf32, #tpu.memory_space<vmem>>) dst(%dma_wait3A_142 : memref<10112x128xf32, #tpu.memory_space<vmem_shared>>)
        tpu.yield
      }) : () -> ()
      %add3A_99 = arith.constant 2 : i32
      %add3A_100 = arith.addi %mul3A_85, %add3A_99 : i32
      %lt3A = arith.constant 40 : i32
      %lt3A_101 = arith.cmpi slt, %add3A_100, %lt3A : i32
      %convert_element_type3A = arith.extui %lt3A_101 : i1 to i32
      %cond3A = arith.constant 0 : i32
      %cond3A_102 = arith.cmpi ne, %convert_element_type3A, %cond3A : i32
      scf.if %cond3A_102 {
        %add3A_122 = arith.constant 2 : i32
        %add3A_123 = arith.addi %mul3A_85, %add3A_122 : i32
        %dma_start3A_124 = arith.constant 0 : i32
        %dma_start3A_125 = arith.constant 0 : i32
        %dma_start3A_126 = arith.constant 0 : i32
        %dma_start3A_127 = tpu.memref_slice %arg8[%dma_start3A_124, %dma_start3A_125, %dma_start3A_126] : memref<2x128x128xf32, #tpu.memory_space<vmem>> -> memref<1x128x128xf32, #tpu.memory_space<vmem>>
        %dma_start3A_128 = tpu.memref_squeeze %dma_start3A_127 : memref<1x128x128xf32, #tpu.memory_space<vmem>> -> memref<128x128xf32, #tpu.memory_space<vmem>>
        %dma_start3A_129 = arith.constant 0 : i32
        %dma_start3A_130 = tpu.memref_slice %arg6[%add3A_123, %dma_start3A_129] : memref<40x128xi32, #tpu.memory_space<vmem>> -> memref<1x128xi32, #tpu.memory_space<vmem>>
        %dma_start3A_131 = tpu.memref_squeeze %dma_start3A_130 : memref<1x128xi32, #tpu.memory_space<vmem>> -> memref<128xi32, #tpu.memory_space<vmem>>
        %dma_start3A_132 = arith.constant 0 : i32
        %dma_start3A_133 = arith.constant 0 : i32
        %dma_start3A_134 = tpu.memref_slice %arg4[%dma_start3A_132, %dma_start3A_133] : memref<10000x128xf32, #tpu.memory_space<hbm>> -> memref<10000x128xf32, #tpu.memory_space<hbm>>
        tpu.enqueue_indirect_dma source(%dma_start3A_134 : memref<10000x128xf32, #tpu.memory_space<hbm>>) target(%dma_start3A_128 : memref<128x128xf32, #tpu.memory_space<vmem>>) offsets(%dma_start3A_131 : memref<128xi32, #tpu.memory_space<vmem>>) semaphore(%arg10 : memref<!tpu.dma_semaphore, #tpu.memory_space<semaphore_mem>>)
      } else {
      }
      %dma_wait3A_103 = arith.constant 1 : i32
      %dma_wait3A_104 = arith.constant 0 : i32
      %dma_wait3A_105 = arith.constant 0 : i32
      %dma_wait3A_106 = tpu.memref_slice %arg8[%dma_wait3A_103, %dma_wait3A_104, %dma_wait3A_105] : memref<2x128x128xf32, #tpu.memory_space<vmem>> -> memref<1x128x128xf32, #tpu.memory_space<vmem>>
      %dma_wait3A_107 = tpu.memref_squeeze %dma_wait3A_106 : memref<1x128x128xf32, #tpu.memory_space<vmem>> -> memref<128x128xf32, #tpu.memory_space<vmem>>
      %dma_wait3A_108 = arith.constant 0 : i32
      %dma_wait3A_109 = tpu.memref_slice %arg6[%add3A_87, %dma_wait3A_108] : memref<40x128xi32, #tpu.memory_space<vmem>> -> memref<1x128xi32, #tpu.memory_space<vmem>>
      %dma_wait3A_110 = tpu.memref_squeeze %dma_wait3A_109 : memref<1x128xi32, #tpu.memory_space<vmem>> -> memref<128xi32, #tpu.memory_space<vmem>>
      %dma_wait3A_111 = arith.constant 0 : i32
      %dma_wait3A_112 = arith.constant 0 : i32
      %dma_wait3A_113 = tpu.memref_slice %arg4[%dma_wait3A_111, %dma_wait3A_112] : memref<10000x128xf32, #tpu.memory_space<hbm>> -> memref<10000x128xf32, #tpu.memory_space<hbm>>
      tpu.wait_indirect_dma semaphore(%arg11 : memref<!tpu.dma_semaphore, #tpu.memory_space<semaphore_mem>>) src(%dma_wait3A_113 : memref<10000x128xf32, #tpu.memory_space<hbm>>) dst(%dma_wait3A_107 : memref<128x128xf32, #tpu.memory_space<vmem>>)
      %run_scoped3A_114 = arith.constant 1 : i32
      "tpu.region"() ({
        %run_scoped3A_122 = tpu.sem_alloc : memref<!tpu.dma_semaphore, #tpu.memory_space<semaphore_mem>>
        %dma_start3A_123 = arith.constant 0 : i32
        %dma_start3A_124 = arith.constant 0 : i32
        %dma_start3A_125 = tpu.memref_slice %arg8[%run_scoped3A_114, %dma_start3A_123, %dma_start3A_124] : memref<2x128x128xf32, #tpu.memory_space<vmem>> -> memref<1x128x128xf32, #tpu.memory_space<vmem>>
        %dma_start3A_126 = tpu.memref_squeeze %dma_start3A_125 : memref<1x128x128xf32, #tpu.memory_space<vmem>> -> memref<128x128xf32, #tpu.memory_space<vmem>>
        %dma_start3A_127 = arith.constant 0 : i32
        %dma_start3A_128 = tpu.memref_slice %arg7[%add3A_87, %dma_start3A_127] : memref<40x128xi32, #tpu.memory_space<vmem>> -> memref<1x128xi32, #tpu.memory_space<vmem>>
        %dma_start3A_129 = tpu.memref_squeeze %dma_start3A_128 : memref<1x128xi32, #tpu.memory_space<vmem>> -> memref<128xi32, #tpu.memory_space<vmem>>
        %dma_start3A_130 = arith.constant 0 : i32
        %dma_start3A_131 = arith.constant 0 : i32
        %dma_start3A_132 = tpu.memref_slice %arg9[%dma_start3A_130, %dma_start3A_131] : memref<10112x128xf32, #tpu.memory_space<vmem_shared>> -> memref<10112x128xf32, #tpu.memory_space<vmem_shared>>
        tpu.enqueue_indirect_dma source(%dma_start3A_126 : memref<128x128xf32, #tpu.memory_space<vmem>>) target(%dma_start3A_132 : memref<10112x128xf32, #tpu.memory_space<vmem_shared>>) offsets(%dma_start3A_129 : memref<128xi32, #tpu.memory_space<vmem>>) semaphore(%run_scoped3A_122 : memref<!tpu.dma_semaphore, #tpu.memory_space<semaphore_mem>>) {add = true}
        %dma_wait3A_133 = arith.constant 0 : i32
        %dma_wait3A_134 = arith.constant 0 : i32
        %dma_wait3A_135 = tpu.memref_slice %arg8[%run_scoped3A_114, %dma_wait3A_133, %dma_wait3A_134] : memref<2x128x128xf32, #tpu.memory_space<vmem>> -> memref<1x128x128xf32, #tpu.memory_space<vmem>>
        %dma_wait3A_136 = tpu.memref_squeeze %dma_wait3A_135 : memref<1x128x128xf32, #tpu.memory_space<vmem>> -> memref<128x128xf32, #tpu.memory_space<vmem>>
        %dma_wait3A_137 = arith.constant 0 : i32
        %dma_wait3A_138 = tpu.memref_slice %arg7[%add3A_87, %dma_wait3A_137] : memref<40x128xi32, #tpu.memory_space<vmem>> -> memref<1x128xi32, #tpu.memory_space<vmem>>
        %dma_wait3A_139 = tpu.memref_squeeze %dma_wait3A_138 : memref<1x128xi32, #tpu.memory_space<vmem>> -> memref<128xi32, #tpu.memory_space<vmem>>
        %dma_wait3A_140 = arith.constant 0 : i32
        %dma_wait3A_141 = arith.constant 0 : i32
        %dma_wait3A_142 = tpu.memref_slice %arg9[%dma_wait3A_140, %dma_wait3A_141] : memref<10112x128xf32, #tpu.memory_space<vmem_shared>> -> memref<10112x128xf32, #tpu.memory_space<vmem_shared>>
        tpu.wait_indirect_dma semaphore(%run_scoped3A_122 : memref<!tpu.dma_semaphore, #tpu.memory_space<semaphore_mem>>) src(%dma_wait3A_136 : memref<128x128xf32, #tpu.memory_space<vmem>>) dst(%dma_wait3A_142 : memref<10112x128xf32, #tpu.memory_space<vmem_shared>>)
        tpu.yield
      }) : () -> ()
      %add3A_115 = arith.constant 2 : i32
      %add3A_116 = arith.addi %add3A_87, %add3A_115 : i32
      %lt3A_117 = arith.constant 40 : i32
      %lt3A_118 = arith.cmpi slt, %add3A_116, %lt3A_117 : i32
      %convert_element_type3A_119 = arith.extui %lt3A_118 : i1 to i32
      %cond3A_120 = arith.constant 0 : i32
      %cond3A_121 = arith.cmpi ne, %convert_element_type3A_119, %cond3A_120 : i32
      scf.if %cond3A_121 {
        %add3A_122 = arith.constant 2 : i32
        %add3A_123 = arith.addi %add3A_87, %add3A_122 : i32
        %dma_start3A_124 = arith.constant 1 : i32
        %dma_start3A_125 = arith.constant 0 : i32
        %dma_start3A_126 = arith.constant 0 : i32
        %dma_start3A_127 = tpu.memref_slice %arg8[%dma_start3A_124, %dma_start3A_125, %dma_start3A_126] : memref<2x128x128xf32, #tpu.memory_space<vmem>> -> memref<1x128x128xf32, #tpu.memory_space<vmem>>
        %dma_start3A_128 = tpu.memref_squeeze %dma_start3A_127 : memref<1x128x128xf32, #tpu.memory_space<vmem>> -> memref<128x128xf32, #tpu.memory_space<vmem>>
        %dma_start3A_129 = arith.constant 0 : i32
        %dma_start3A_130 = tpu.memref_slice %arg6[%add3A_123, %dma_start3A_129] : memref<40x128xi32, #tpu.memory_space<vmem>> -> memref<1x128xi32, #tpu.memory_space<vmem>>
        %dma_start3A_131 = tpu.memref_squeeze %dma_start3A_130 : memref<1x128xi32, #tpu.memory_space<vmem>> -> memref<128xi32, #tpu.memory_space<vmem>>
        %dma_start3A_132 = arith.constant 0 : i32
        %dma_start3A_133 = arith.constant 0 : i32
        %dma_start3A_134 = tpu.memref_slice %arg4[%dma_start3A_132, %dma_start3A_133] : memref<10000x128xf32, #tpu.memory_space<hbm>> -> memref<10000x128xf32, #tpu.memory_space<hbm>>
        tpu.enqueue_indirect_dma source(%dma_start3A_134 : memref<10000x128xf32, #tpu.memory_space<hbm>>) target(%dma_start3A_128 : memref<128x128xf32, #tpu.memory_space<vmem>>) offsets(%dma_start3A_131 : memref<128xi32, #tpu.memory_space<vmem>>) semaphore(%arg11 : memref<!tpu.dma_semaphore, #tpu.memory_space<semaphore_mem>>)
      } else {
      }
    }
    %scan3A_51 = arith.constant 20 : i32
    "tpu.region"() ({
      %run_scoped3A_83 = tpu.sem_alloc : memref<!tpu.dma_semaphore, #tpu.memory_space<semaphore_mem>>
      %dma_start3A_84 = arith.constant 40 : i32
      %dma_start3A_85 = arith.constant 0 : i32
      %dma_start3A_86 = tpu.memref_slice %arg2[%add3A, %dma_start3A_84, %dma_start3A_85] : memref<32x80x128xi32, #tpu.memory_space<hbm>> -> memref<1x40x128xi32, #tpu.memory_space<hbm>>
      %dma_start3A_87 = tpu.memref_squeeze %dma_start3A_86 : memref<1x40x128xi32, #tpu.memory_space<hbm>> -> memref<40x128xi32, #tpu.memory_space<hbm>>
      %dma_start3A_88 = arith.constant 40 : i32
      %dma_start3A_89 = arith.constant 0 : i32
      %dma_start3A_90 = tpu.memref_slice %arg2[%add3A, %dma_start3A_88, %dma_start3A_89] : memref<32x80x128xi32, #tpu.memory_space<hbm>> -> memref<1x40x128xi32, #tpu.memory_space<hbm>>
      %dma_start3A_91 = tpu.memref_squeeze %dma_start3A_90 : memref<1x40x128xi32, #tpu.memory_space<hbm>> -> memref<40x128xi32, #tpu.memory_space<hbm>>
      tpu.enqueue_dma source(%dma_start3A_91 : memref<40x128xi32, #tpu.memory_space<hbm>>) target(%arg6 : memref<40x128xi32, #tpu.memory_space<vmem>>) target_semaphore(%run_scoped3A_83 : memref<!tpu.dma_semaphore, #tpu.memory_space<semaphore_mem>>)
      %dma_wait3A = arith.constant 40 : i32
      %dma_wait3A_92 = arith.constant 0 : i32
      %dma_wait3A_93 = tpu.memref_slice %arg2[%add3A, %dma_wait3A, %dma_wait3A_92] : memref<32x80x128xi32, #tpu.memory_space<hbm>> -> memref<1x40x128xi32, #tpu.memory_space<hbm>>
      %dma_wait3A_94 = tpu.memref_squeeze %dma_wait3A_93 : memref<1x40x128xi32, #tpu.memory_space<hbm>> -> memref<40x128xi32, #tpu.memory_space<hbm>>
      %dma_wait3A_95 = arith.constant 40 : i32
      %dma_wait3A_96 = arith.constant 0 : i32
      %dma_wait3A_97 = tpu.memref_slice %arg2[%add3A, %dma_wait3A_95, %dma_wait3A_96] : memref<32x80x128xi32, #tpu.memory_space<hbm>> -> memref<1x40x128xi32, #tpu.memory_space<hbm>>
      %dma_wait3A_98 = tpu.memref_squeeze %dma_wait3A_97 : memref<1x40x128xi32, #tpu.memory_space<hbm>> -> memref<40x128xi32, #tpu.memory_space<hbm>>
      tpu.wait_dma2 semaphore(%run_scoped3A_83 : memref<!tpu.dma_semaphore, #tpu.memory_space<semaphore_mem>>) src(%dma_wait3A_98 : memref<40x128xi32, #tpu.memory_space<hbm>>) dst(%arg6 : memref<40x128xi32, #tpu.memory_space<vmem>>)
      tpu.yield
    }) : () -> ()
    "tpu.region"() ({
      %run_scoped3A_83 = tpu.sem_alloc : memref<!tpu.dma_semaphore, #tpu.memory_space<semaphore_mem>>
      %dma_start3A_84 = arith.constant 40 : i32
      %dma_start3A_85 = arith.constant 0 : i32
      %dma_start3A_86 = tpu.memref_slice %arg3[%add3A, %dma_start3A_84, %dma_start3A_85] : memref<32x80x128xi32, #tpu.memory_space<hbm>> -> memref<1x40x128xi32, #tpu.memory_space<hbm>>
      %dma_start3A_87 = tpu.memref_squeeze %dma_start3A_86 : memref<1x40x128xi32, #tpu.memory_space<hbm>> -> memref<40x128xi32, #tpu.memory_space<hbm>>
      %dma_start3A_88 = arith.constant 40 : i32
      %dma_start3A_89 = arith.constant 0 : i32
      %dma_start3A_90 = tpu.memref_slice %arg3[%add3A, %dma_start3A_88, %dma_start3A_89] : memref<32x80x128xi32, #tpu.memory_space<hbm>> -> memref<1x40x128xi32, #tpu.memory_space<hbm>>
      %dma_start3A_91 = tpu.memref_squeeze %dma_start3A_90 : memref<1x40x128xi32, #tpu.memory_space<hbm>> -> memref<40x128xi32, #tpu.memory_space<hbm>>
      tpu.enqueue_dma source(%dma_start3A_91 : memref<40x128xi32, #tpu.memory_space<hbm>>) target(%arg7 : memref<40x128xi32, #tpu.memory_space<vmem>>) target_semaphore(%run_scoped3A_83 : memref<!tpu.dma_semaphore, #tpu.memory_space<semaphore_mem>>)
      %dma_wait3A = arith.constant 40 : i32
      %dma_wait3A_92 = arith.constant 0 : i32
      %dma_wait3A_93 = tpu.memref_slice %arg3[%add3A, %dma_wait3A, %dma_wait3A_92] : memref<32x80x128xi32, #tpu.memory_space<hbm>> -> memref<1x40x128xi32, #tpu.memory_space<hbm>>
      %dma_wait3A_94 = tpu.memref_squeeze %dma_wait3A_93 : memref<1x40x128xi32, #tpu.memory_space<hbm>> -> memref<40x128xi32, #tpu.memory_space<hbm>>
      %dma_wait3A_95 = arith.constant 40 : i32
      %dma_wait3A_96 = arith.constant 0 : i32
      %dma_wait3A_97 = tpu.memref_slice %arg3[%add3A, %dma_wait3A_95, %dma_wait3A_96] : memref<32x80x128xi32, #tpu.memory_space<hbm>> -> memref<1x40x128xi32, #tpu.memory_space<hbm>>
      %dma_wait3A_98 = tpu.memref_squeeze %dma_wait3A_97 : memref<1x40x128xi32, #tpu.memory_space<hbm>> -> memref<40x128xi32, #tpu.memory_space<hbm>>
      tpu.wait_dma2 semaphore(%run_scoped3A_83 : memref<!tpu.dma_semaphore, #tpu.memory_space<semaphore_mem>>) src(%dma_wait3A_98 : memref<40x128xi32, #tpu.memory_space<hbm>>) dst(%arg7 : memref<40x128xi32, #tpu.memory_space<vmem>>)
      tpu.yield
    }) : () -> ()
    %dma_start3A_52 = arith.constant 0 : i32
    %dma_start3A_53 = arith.constant 0 : i32
    %dma_start3A_54 = arith.constant 0 : i32
    %dma_start3A_55 = arith.constant 0 : i32
    %dma_start3A_56 = tpu.memref_slice %arg8[%dma_start3A_53, %dma_start3A_54, %dma_start3A_55] : memref<2x128x128xf32, #tpu.memory_space<vmem>> -> memref<1x128x128xf32, #tpu.memory_space<vmem>>
    %dma_start3A_57 = tpu.memref_squeeze %dma_start3A_56 : memref<1x128x128xf32, #tpu.memory_space<vmem>> -> memref<128x128xf32, #tpu.memory_space<vmem>>
    %dma_start3A_58 = arith.constant 0 : i32
    %dma_start3A_59 = tpu.memref_slice %arg6[%dma_start3A_52, %dma_start3A_58] : memref<40x128xi32, #tpu.memory_space<vmem>> -> memref<1x128xi32, #tpu.memory_space<vmem>>
    %dma_start3A_60 = tpu.memref_squeeze %dma_start3A_59 : memref<1x128xi32, #tpu.memory_space<vmem>> -> memref<128xi32, #tpu.memory_space<vmem>>
    %dma_start3A_61 = arith.constant 0 : i32
    %dma_start3A_62 = arith.constant 0 : i32
    %dma_start3A_63 = tpu.memref_slice %arg4[%dma_start3A_61, %dma_start3A_62] : memref<10000x128xf32, #tpu.memory_space<hbm>> -> memref<10000x128xf32, #tpu.memory_space<hbm>>
    tpu.enqueue_indirect_dma source(%dma_start3A_63 : memref<10000x128xf32, #tpu.memory_space<hbm>>) target(%dma_start3A_57 : memref<128x128xf32, #tpu.memory_space<vmem>>) offsets(%dma_start3A_60 : memref<128xi32, #tpu.memory_space<vmem>>) semaphore(%arg10 : memref<!tpu.dma_semaphore, #tpu.memory_space<semaphore_mem>>)
    %dma_start3A_64 = arith.constant 1 : i32
    %dma_start3A_65 = arith.constant 1 : i32
    %dma_start3A_66 = arith.constant 0 : i32
    %dma_start3A_67 = arith.constant 0 : i32
    %dma_start3A_68 = tpu.memref_slice %arg8[%dma_start3A_65, %dma_start3A_66, %dma_start3A_67] : memref<2x128x128xf32, #tpu.memory_space<vmem>> -> memref<1x128x128xf32, #tpu.memory_space<vmem>>
    %dma_start3A_69 = tpu.memref_squeeze %dma_start3A_68 : memref<1x128x128xf32, #tpu.memory_space<vmem>> -> memref<128x128xf32, #tpu.memory_space<vmem>>
    %dma_start3A_70 = arith.constant 0 : i32
    %dma_start3A_71 = tpu.memref_slice %arg6[%dma_start3A_64, %dma_start3A_70] : memref<40x128xi32, #tpu.memory_space<vmem>> -> memref<1x128xi32, #tpu.memory_space<vmem>>
    %dma_start3A_72 = tpu.memref_squeeze %dma_start3A_71 : memref<1x128xi32, #tpu.memory_space<vmem>> -> memref<128xi32, #tpu.memory_space<vmem>>
    %dma_start3A_73 = arith.constant 0 : i32
    %dma_start3A_74 = arith.constant 0 : i32
    %dma_start3A_75 = tpu.memref_slice %arg4[%dma_start3A_73, %dma_start3A_74] : memref<10000x128xf32, #tpu.memory_space<hbm>> -> memref<10000x128xf32, #tpu.memory_space<hbm>>
    tpu.enqueue_indirect_dma source(%dma_start3A_75 : memref<10000x128xf32, #tpu.memory_space<hbm>>) target(%dma_start3A_69 : memref<128x128xf32, #tpu.memory_space<vmem>>) offsets(%dma_start3A_72 : memref<128xi32, #tpu.memory_space<vmem>>) semaphore(%arg11 : memref<!tpu.dma_semaphore, #tpu.memory_space<semaphore_mem>>)
    %scan3A_76 = arith.constant 0 : i32
    %scan3A_77 = arith.constant 0 : i32
    %scan3A_78 = arith.constant 20 : i32
    %scan3A_79 = arith.addi %scan3A_77, %scan3A_78 : i32
    %scan3A_80 = arith.constant 1 : i32
    scf.for %scan3A_83 = %scan3A_77 to %scan3A_79 step %scan3A_80  : i32 {
      %mul3A_84 = arith.constant 2 : i32
      %mul3A_85 = arith.muli %mul3A_84, %scan3A_83 : i32
      %add3A_86 = arith.constant 1 : i32
      %add3A_87 = arith.addi %mul3A_85, %add3A_86 : i32
      %dma_wait3A = arith.constant 0 : i32
      %dma_wait3A_88 = arith.constant 0 : i32
      %dma_wait3A_89 = arith.constant 0 : i32
      %dma_wait3A_90 = tpu.memref_slice %arg8[%dma_wait3A, %dma_wait3A_88, %dma_wait3A_89] : memref<2x128x128xf32, #tpu.memory_space<vmem>> -> memref<1x128x128xf32, #tpu.memory_space<vmem>>
      %dma_wait3A_91 = tpu.memref_squeeze %dma_wait3A_90 : memref<1x128x128xf32, #tpu.memory_space<vmem>> -> memref<128x128xf32, #tpu.memory_space<vmem>>
      %dma_wait3A_92 = arith.constant 0 : i32
      %dma_wait3A_93 = tpu.memref_slice %arg6[%mul3A_85, %dma_wait3A_92] : memref<40x128xi32, #tpu.memory_space<vmem>> -> memref<1x128xi32, #tpu.memory_space<vmem>>
      %dma_wait3A_94 = tpu.memref_squeeze %dma_wait3A_93 : memref<1x128xi32, #tpu.memory_space<vmem>> -> memref<128xi32, #tpu.memory_space<vmem>>
      %dma_wait3A_95 = arith.constant 0 : i32
      %dma_wait3A_96 = arith.constant 0 : i32
      %dma_wait3A_97 = tpu.memref_slice %arg4[%dma_wait3A_95, %dma_wait3A_96] : memref<10000x128xf32, #tpu.memory_space<hbm>> -> memref<10000x128xf32, #tpu.memory_space<hbm>>
      tpu.wait_indirect_dma semaphore(%arg10 : memref<!tpu.dma_semaphore, #tpu.memory_space<semaphore_mem>>) src(%dma_wait3A_97 : memref<10000x128xf32, #tpu.memory_space<hbm>>) dst(%dma_wait3A_91 : memref<128x128xf32, #tpu.memory_space<vmem>>)
      %run_scoped3A_98 = arith.constant 0 : i32
      "tpu.region"() ({
        %run_scoped3A_122 = tpu.sem_alloc : memref<!tpu.dma_semaphore, #tpu.memory_space<semaphore_mem>>
        %dma_start3A_123 = arith.constant 0 : i32
        %dma_start3A_124 = arith.constant 0 : i32
        %dma_start3A_125 = tpu.memref_slice %arg8[%run_scoped3A_98, %dma_start3A_123, %dma_start3A_124] : memref<2x128x128xf32, #tpu.memory_space<vmem>> -> memref<1x128x128xf32, #tpu.memory_space<vmem>>
        %dma_start3A_126 = tpu.memref_squeeze %dma_start3A_125 : memref<1x128x128xf32, #tpu.memory_space<vmem>> -> memref<128x128xf32, #tpu.memory_space<vmem>>
        %dma_start3A_127 = arith.constant 0 : i32
        %dma_start3A_128 = tpu.memref_slice %arg7[%mul3A_85, %dma_start3A_127] : memref<40x128xi32, #tpu.memory_space<vmem>> -> memref<1x128xi32, #tpu.memory_space<vmem>>
        %dma_start3A_129 = tpu.memref_squeeze %dma_start3A_128 : memref<1x128xi32, #tpu.memory_space<vmem>> -> memref<128xi32, #tpu.memory_space<vmem>>
        %dma_start3A_130 = arith.constant 0 : i32
        %dma_start3A_131 = arith.constant 0 : i32
        %dma_start3A_132 = tpu.memref_slice %arg9[%dma_start3A_130, %dma_start3A_131] : memref<10112x128xf32, #tpu.memory_space<vmem_shared>> -> memref<10112x128xf32, #tpu.memory_space<vmem_shared>>
        tpu.enqueue_indirect_dma source(%dma_start3A_126 : memref<128x128xf32, #tpu.memory_space<vmem>>) target(%dma_start3A_132 : memref<10112x128xf32, #tpu.memory_space<vmem_shared>>) offsets(%dma_start3A_129 : memref<128xi32, #tpu.memory_space<vmem>>) semaphore(%run_scoped3A_122 : memref<!tpu.dma_semaphore, #tpu.memory_space<semaphore_mem>>) {add = true}
        %dma_wait3A_133 = arith.constant 0 : i32
        %dma_wait3A_134 = arith.constant 0 : i32
        %dma_wait3A_135 = tpu.memref_slice %arg8[%run_scoped3A_98, %dma_wait3A_133, %dma_wait3A_134] : memref<2x128x128xf32, #tpu.memory_space<vmem>> -> memref<1x128x128xf32, #tpu.memory_space<vmem>>
        %dma_wait3A_136 = tpu.memref_squeeze %dma_wait3A_135 : memref<1x128x128xf32, #tpu.memory_space<vmem>> -> memref<128x128xf32, #tpu.memory_space<vmem>>
        %dma_wait3A_137 = arith.constant 0 : i32
        %dma_wait3A_138 = tpu.memref_slice %arg7[%mul3A_85, %dma_wait3A_137] : memref<40x128xi32, #tpu.memory_space<vmem>> -> memref<1x128xi32, #tpu.memory_space<vmem>>
        %dma_wait3A_139 = tpu.memref_squeeze %dma_wait3A_138 : memref<1x128xi32, #tpu.memory_space<vmem>> -> memref<128xi32, #tpu.memory_space<vmem>>
        %dma_wait3A_140 = arith.constant 0 : i32
        %dma_wait3A_141 = arith.constant 0 : i32
        %dma_wait3A_142 = tpu.memref_slice %arg9[%dma_wait3A_140, %dma_wait3A_141] : memref<10112x128xf32, #tpu.memory_space<vmem_shared>> -> memref<10112x128xf32, #tpu.memory_space<vmem_shared>>
        tpu.wait_indirect_dma semaphore(%run_scoped3A_122 : memref<!tpu.dma_semaphore, #tpu.memory_space<semaphore_mem>>) src(%dma_wait3A_136 : memref<128x128xf32, #tpu.memory_space<vmem>>) dst(%dma_wait3A_142 : memref<10112x128xf32, #tpu.memory_space<vmem_shared>>)
        tpu.yield
      }) : () -> ()
      %add3A_99 = arith.constant 2 : i32
      %add3A_100 = arith.addi %mul3A_85, %add3A_99 : i32
      %lt3A = arith.constant 40 : i32
      %lt3A_101 = arith.cmpi slt, %add3A_100, %lt3A : i32
      %convert_element_type3A = arith.extui %lt3A_101 : i1 to i32
      %cond3A = arith.constant 0 : i32
      %cond3A_102 = arith.cmpi ne, %convert_element_type3A, %cond3A : i32
      scf.if %cond3A_102 {
        %add3A_122 = arith.constant 2 : i32
        %add3A_123 = arith.addi %mul3A_85, %add3A_122 : i32
        %dma_start3A_124 = arith.constant 0 : i32
        %dma_start3A_125 = arith.constant 0 : i32
        %dma_start3A_126 = arith.constant 0 : i32
        %dma_start3A_127 = tpu.memref_slice %arg8[%dma_start3A_124, %dma_start3A_125, %dma_start3A_126] : memref<2x128x128xf32, #tpu.memory_space<vmem>> -> memref<1x128x128xf32, #tpu.memory_space<vmem>>
        %dma_start3A_128 = tpu.memref_squeeze %dma_start3A_127 : memref<1x128x128xf32, #tpu.memory_space<vmem>> -> memref<128x128xf32, #tpu.memory_space<vmem>>
        %dma_start3A_129 = arith.constant 0 : i32
        %dma_start3A_130 = tpu.memref_slice %arg6[%add3A_123, %dma_start3A_129] : memref<40x128xi32, #tpu.memory_space<vmem>> -> memref<1x128xi32, #tpu.memory_space<vmem>>
        %dma_start3A_131 = tpu.memref_squeeze %dma_start3A_130 : memref<1x128xi32, #tpu.memory_space<vmem>> -> memref<128xi32, #tpu.memory_space<vmem>>
        %dma_start3A_132 = arith.constant 0 : i32
        %dma_start3A_133 = arith.constant 0 : i32
        %dma_start3A_134 = tpu.memref_slice %arg4[%dma_start3A_132, %dma_start3A_133] : memref<10000x128xf32, #tpu.memory_space<hbm>> -> memref<10000x128xf32, #tpu.memory_space<hbm>>
        tpu.enqueue_indirect_dma source(%dma_start3A_134 : memref<10000x128xf32, #tpu.memory_space<hbm>>) target(%dma_start3A_128 : memref<128x128xf32, #tpu.memory_space<vmem>>) offsets(%dma_start3A_131 : memref<128xi32, #tpu.memory_space<vmem>>) semaphore(%arg10 : memref<!tpu.dma_semaphore, #tpu.memory_space<semaphore_mem>>)
      } else {
      }
      %dma_wait3A_103 = arith.constant 1 : i32
      %dma_wait3A_104 = arith.constant 0 : i32
      %dma_wait3A_105 = arith.constant 0 : i32
      %dma_wait3A_106 = tpu.memref_slice %arg8[%dma_wait3A_103, %dma_wait3A_104, %dma_wait3A_105] : memref<2x128x128xf32, #tpu.memory_space<vmem>> -> memref<1x128x128xf32, #tpu.memory_space<vmem>>
      %dma_wait3A_107 = tpu.memref_squeeze %dma_wait3A_106 : memref<1x128x128xf32, #tpu.memory_space<vmem>> -> memref<128x128xf32, #tpu.memory_space<vmem>>
      %dma_wait3A_108 = arith.constant 0 : i32
      %dma_wait3A_109 = tpu.memref_slice %arg6[%add3A_87, %dma_wait3A_108] : memref<40x128xi32, #tpu.memory_space<vmem>> -> memref<1x128xi32, #tpu.memory_space<vmem>>
      %dma_wait3A_110 = tpu.memref_squeeze %dma_wait3A_109 : memref<1x128xi32, #tpu.memory_space<vmem>> -> memref<128xi32, #tpu.memory_space<vmem>>
      %dma_wait3A_111 = arith.constant 0 : i32
      %dma_wait3A_112 = arith.constant 0 : i32
      %dma_wait3A_113 = tpu.memref_slice %arg4[%dma_wait3A_111, %dma_wait3A_112] : memref<10000x128xf32, #tpu.memory_space<hbm>> -> memref<10000x128xf32, #tpu.memory_space<hbm>>
      tpu.wait_indirect_dma semaphore(%arg11 : memref<!tpu.dma_semaphore, #tpu.memory_space<semaphore_mem>>) src(%dma_wait3A_113 : memref<10000x128xf32, #tpu.memory_space<hbm>>) dst(%dma_wait3A_107 : memref<128x128xf32, #tpu.memory_space<vmem>>)
      %run_scoped3A_114 = arith.constant 1 : i32
      "tpu.region"() ({
        %run_scoped3A_122 = tpu.sem_alloc : memref<!tpu.dma_semaphore, #tpu.memory_space<semaphore_mem>>
        %dma_start3A_123 = arith.constant 0 : i32
        %dma_start3A_124 = arith.constant 0 : i32
        %dma_start3A_125 = tpu.memref_slice %arg8[%run_scoped3A_114, %dma_start3A_123, %dma_start3A_124] : memref<2x128x128xf32, #tpu.memory_space<vmem>> -> memref<1x128x128xf32, #tpu.memory_space<vmem>>
        %dma_start3A_126 = tpu.memref_squeeze %dma_start3A_125 : memref<1x128x128xf32, #tpu.memory_space<vmem>> -> memref<128x128xf32, #tpu.memory_space<vmem>>
        %dma_start3A_127 = arith.constant 0 : i32
        %dma_start3A_128 = tpu.memref_slice %arg7[%add3A_87, %dma_start3A_127] : memref<40x128xi32, #tpu.memory_space<vmem>> -> memref<1x128xi32, #tpu.memory_space<vmem>>
        %dma_start3A_129 = tpu.memref_squeeze %dma_start3A_128 : memref<1x128xi32, #tpu.memory_space<vmem>> -> memref<128xi32, #tpu.memory_space<vmem>>
        %dma_start3A_130 = arith.constant 0 : i32
        %dma_start3A_131 = arith.constant 0 : i32
        %dma_start3A_132 = tpu.memref_slice %arg9[%dma_start3A_130, %dma_start3A_131] : memref<10112x128xf32, #tpu.memory_space<vmem_shared>> -> memref<10112x128xf32, #tpu.memory_space<vmem_shared>>
        tpu.enqueue_indirect_dma source(%dma_start3A_126 : memref<128x128xf32, #tpu.memory_space<vmem>>) target(%dma_start3A_132 : memref<10112x128xf32, #tpu.memory_space<vmem_shared>>) offsets(%dma_start3A_129 : memref<128xi32, #tpu.memory_space<vmem>>) semaphore(%run_scoped3A_122 : memref<!tpu.dma_semaphore, #tpu.memory_space<semaphore_mem>>) {add = true}
        %dma_wait3A_133 = arith.constant 0 : i32
        %dma_wait3A_134 = arith.constant 0 : i32
        %dma_wait3A_135 = tpu.memref_slice %arg8[%run_scoped3A_114, %dma_wait3A_133, %dma_wait3A_134] : memref<2x128x128xf32, #tpu.memory_space<vmem>> -> memref<1x128x128xf32, #tpu.memory_space<vmem>>
        %dma_wait3A_136 = tpu.memref_squeeze %dma_wait3A_135 : memref<1x128x128xf32, #tpu.memory_space<vmem>> -> memref<128x128xf32, #tpu.memory_space<vmem>>
        %dma_wait3A_137 = arith.constant 0 : i32
        %dma_wait3A_138 = tpu.memref_slice %arg7[%add3A_87, %dma_wait3A_137] : memref<40x128xi32, #tpu.memory_space<vmem>> -> memref<1x128xi32, #tpu.memory_space<vmem>>
        %dma_wait3A_139 = tpu.memref_squeeze %dma_wait3A_138 : memref<1x128xi32, #tpu.memory_space<vmem>> -> memref<128xi32, #tpu.memory_space<vmem>>
        %dma_wait3A_140 = arith.constant 0 : i32
        %dma_wait3A_141 = arith.constant 0 : i32
        %dma_wait3A_142 = tpu.memref_slice %arg9[%dma_wait3A_140, %dma_wait3A_141] : memref<10112x128xf32, #tpu.memory_space<vmem_shared>> -> memref<10112x128xf32, #tpu.memory_space<vmem_shared>>
        tpu.wait_indirect_dma semaphore(%run_scoped3A_122 : memref<!tpu.dma_semaphore, #tpu.memory_space<semaphore_mem>>) src(%dma_wait3A_136 : memref<128x128xf32, #tpu.memory_space<vmem>>) dst(%dma_wait3A_142 : memref<10112x128xf32, #tpu.memory_space<vmem_shared>>)
        tpu.yield
      }) : () -> ()
      %add3A_115 = arith.constant 2 : i32
      %add3A_116 = arith.addi %add3A_87, %add3A_115 : i32
      %lt3A_117 = arith.constant 40 : i32
      %lt3A_118 = arith.cmpi slt, %add3A_116, %lt3A_117 : i32
      %convert_element_type3A_119 = arith.extui %lt3A_118 : i1 to i32
      %cond3A_120 = arith.constant 0 : i32
      %cond3A_121 = arith.cmpi ne, %convert_element_type3A_119, %cond3A_120 : i32
      scf.if %cond3A_121 {
        %add3A_122 = arith.constant 2 : i32
        %add3A_123 = arith.addi %add3A_87, %add3A_122 : i32
        %dma_start3A_124 = arith.constant 1 : i32
        %dma_start3A_125 = arith.constant 0 : i32
        %dma_start3A_126 = arith.constant 0 : i32
        %dma_start3A_127 = tpu.memref_slice %arg8[%dma_start3A_124, %dma_start3A_125, %dma_start3A_126] : memref<2x128x128xf32, #tpu.memory_space<vmem>> -> memref<1x128x128xf32, #tpu.memory_space<vmem>>
        %dma_start3A_128 = tpu.memref_squeeze %dma_start3A_127 : memref<1x128x128xf32, #tpu.memory_space<vmem>> -> memref<128x128xf32, #tpu.memory_space<vmem>>
        %dma_start3A_129 = arith.constant 0 : i32
        %dma_start3A_130 = tpu.memref_slice %arg6[%add3A_123, %dma_start3A_129] : memref<40x128xi32, #tpu.memory_space<vmem>> -> memref<1x128xi32, #tpu.memory_space<vmem>>
        %dma_start3A_131 = tpu.memref_squeeze %dma_start3A_130 : memref<1x128xi32, #tpu.memory_space<vmem>> -> memref<128xi32, #tpu.memory_space<vmem>>
        %dma_start3A_132 = arith.constant 0 : i32
        %dma_start3A_133 = arith.constant 0 : i32
        %dma_start3A_134 = tpu.memref_slice %arg4[%dma_start3A_132, %dma_start3A_133] : memref<10000x128xf32, #tpu.memory_space<hbm>> -> memref<10000x128xf32, #tpu.memory_space<hbm>>
        tpu.enqueue_indirect_dma source(%dma_start3A_134 : memref<10000x128xf32, #tpu.memory_space<hbm>>) target(%dma_start3A_128 : memref<128x128xf32, #tpu.memory_space<vmem>>) offsets(%dma_start3A_131 : memref<128xi32, #tpu.memory_space<vmem>>) semaphore(%arg11 : memref<!tpu.dma_semaphore, #tpu.memory_space<semaphore_mem>>)
      } else {
      }
    }
    %scan3A_81 = arith.constant 20 : i32
    %barrier3A_82 = arith.constant 0 : index
    tpu.barrier barrier_id(%barrier3A_82)
    "tpu.region"() ({
      %run_scoped3A_83 = tpu.sem_alloc : memref<!tpu.dma_semaphore, #tpu.memory_space<semaphore_mem>>
      %dma_start3A_84 = arith.constant 0 : i32
      %dma_start3A_85 = tpu.memref_slice %arg5[%arg0, %mul3A_8, %dma_start3A_84] : memref<2x10112x128xf32, #tpu.memory_space<hbm>> -> memref<1x632x128xf32, #tpu.memory_space<hbm>>
      %dma_start3A_86 = tpu.memref_squeeze %dma_start3A_85 : memref<1x632x128xf32, #tpu.memory_space<hbm>> -> memref<632x128xf32, #tpu.memory_space<hbm>>
      %dma_start3A_87 = arith.constant 0 : i32
      %dma_start3A_88 = tpu.memref_slice %arg9[%mul3A_8, %dma_start3A_87] : memref<10112x128xf32, #tpu.memory_space<vmem_shared>> -> memref<632x128xf32, #tpu.memory_space<vmem_shared>>
      tpu.enqueue_dma source(%dma_start3A_88 : memref<632x128xf32, #tpu.memory_space<vmem_shared>>) target(%dma_start3A_86 : memref<632x128xf32, #tpu.memory_space<hbm>>) target_semaphore(%run_scoped3A_83 : memref<!tpu.dma_semaphore, #tpu.memory_space<semaphore_mem>>)
      %dma_wait3A = arith.constant 0 : i32
      %dma_wait3A_89 = tpu.memref_slice %arg5[%arg0, %mul3A_8, %dma_wait3A] : memref<2x10112x128xf32, #tpu.memory_space<hbm>> -> memref<1x632x128xf32, #tpu.memory_space<hbm>>
      %dma_wait3A_90 = tpu.memref_squeeze %dma_wait3A_89 : memref<1x632x128xf32, #tpu.memory_space<hbm>> -> memref<632x128xf32, #tpu.memory_space<hbm>>
      %dma_wait3A_91 = arith.constant 0 : i32
      %dma_wait3A_92 = tpu.memref_slice %arg9[%mul3A_8, %dma_wait3A_91] : memref<10112x128xf32, #tpu.memory_space<vmem_shared>> -> memref<632x128xf32, #tpu.memory_space<vmem_shared>>
      tpu.wait_dma2 semaphore(%run_scoped3A_83 : memref<!tpu.dma_semaphore, #tpu.memory_space<semaphore_mem>>) src(%dma_wait3A_92 : memref<632x128xf32, #tpu.memory_space<vmem_shared>>) dst(%dma_wait3A_90 : memref<632x128xf32, #tpu.memory_space<hbm>>)
      tpu.yield
    }) : () -> ()
    return
  }
}

#map = affine_map<(d0, d1) -> (0, 0, 0)>
#map1 = affine_map<(d0, d1) -> (0, 0)>
module attributes {stable_mosaic.version = 14 : i64} {
  func.func @agg(%arg0: i32, %arg1: i32, %arg2: memref<32x80x128xi32, #tpu.memory_space<hbm>>, %arg3: memref<32x80x128xi32, #tpu.memory_space<hbm>>, %arg4: memref<10112x16xf32, #tpu.memory_space<hbm>>, %arg5: memref<2x10112x16xf32, #tpu.memory_space<hbm>>, %arg6: memref<40x128xi32, #tpu.memory_space<vmem>>, %arg7: memref<40x128xi32, #tpu.memory_space<vmem>>, %arg8: memref<2x128x16xf32, #tpu.memory_space<vmem>>, %arg9: memref<10112x16xf32, #tpu.memory_space<vmem_shared>>, %arg10: memref<!tpu.dma_semaphore, #tpu.memory_space<semaphore_mem>>, %arg11: memref<!tpu.dma_semaphore, #tpu.memory_space<semaphore_mem>>) attributes {dimension_semantics = [#tpu.dimension_semantics<core_parallel>, #tpu.dimension_semantics<subcore_parallel>], iteration_bounds = array<i64: 2, 16>, scalar_prefetch = 0 : i64, scratch_operands = 6 : i64, tpu.core_type = #tpu.core_type<sc_vector_subcore>, window_params = [{transform_indices = #map}, {transform_indices = #map}, {transform_indices = #map1}, {transform_indices = #map}]} {
    %mul3A = arith.constant 16 : i32
    %mul3A_0 = arith.muli %arg0, %mul3A : i32
    %add3A = arith.addi %mul3A_0, %arg1 : i32
    %broadcast_in_dim3A = arith.constant 0.000000e+00 : f32
    %broadcast_in_dim3A_1 = vector.broadcast %broadcast_in_dim3A : f32 to vector<16xf32>
    %scan3A = arith.constant 0 : i32
    %scan3A_2 = arith.constant 0 : i32
    %scan3A_3 = arith.constant 128 : i32
    %scan3A_4 = arith.addi %scan3A_2, %scan3A_3 : i32
    %scan3A_5 = arith.constant 1 : i32
    scf.for %scan3A_83 = %scan3A_2 to %scan3A_4 step %scan3A_5  : i32 {
      %swap3A = arith.constant 0 : i32
      %swap3A_84 = arith.index_cast %swap3A : i32 to index
      %swap3A_85 = arith.index_cast %scan3A_83 : i32 to index
      %swap3A_86 = arith.constant 0 : index
      %swap3A_87 = tpu.vector_load %arg8[%swap3A_84, %swap3A_85, %swap3A_86] {strides = array<i32>} : memref<2x128x16xf32, #tpu.memory_space<vmem>>, vector<1x1x16xf32>,
      %swap3A_88 = vector.shape_cast %swap3A_87 : vector<1x1x16xf32> to vector<16xf32>
      %swap3A_89 = vector.shape_cast %broadcast_in_dim3A_1 : vector<16xf32> to vector<1x1x16xf32>
      tpu.vector_store %arg8[%swap3A_84, %swap3A_85, %swap3A_86], %swap3A_89 {strides = array<i32>} : memref<2x128x16xf32, #tpu.memory_space<vmem>>, vector<1x1x16xf32>,
    }
    %scan3A_6 = arith.constant 128 : i32
    %mul3A_7 = arith.constant 632 : i32
    %mul3A_8 = arith.muli %arg1, %mul3A_7 : i32
    %add3A_9 = arith.constant 0 : i32
    %add3A_10 = arith.addi %mul3A_8, %add3A_9 : i32
    %run_scoped3A = arith.constant 0 : i32
    "tpu.region"() ({
      %run_scoped3A_83 = tpu.sem_alloc : memref<!tpu.dma_semaphore, #tpu.memory_space<semaphore_mem>>
      %dma_start3A_84 = arith.constant 0 : i32
      %dma_start3A_85 = arith.constant 0 : i32
      %dma_start3A_86 = tpu.memref_slice %arg8[%run_scoped3A, %dma_start3A_84, %dma_start3A_85] : memref<2x128x16xf32, #tpu.memory_space<vmem>> -> memref<1x128x16xf32, #tpu.memory_space<vmem>>
      %dma_start3A_87 = tpu.memref_squeeze %dma_start3A_86 : memref<1x128x16xf32, #tpu.memory_space<vmem>> -> memref<128x16xf32, #tpu.memory_space<vmem>>
      %dma_start3A_88 = arith.constant 0 : i32
      %dma_start3A_89 = tpu.memref_slice %arg9[%add3A_10, %dma_start3A_88] : memref<10112x16xf32, #tpu.memory_space<vmem_shared>> -> memref<128x16xf32, #tpu.memory_space<vmem_shared>>
      %dma_start3A_90 = arith.constant 0 : i32
      %dma_start3A_91 = tpu.memref_slice %arg9[%add3A_10, %dma_start3A_90] : memref<10112x16xf32, #tpu.memory_space<vmem_shared>> -> memref<128x16xf32, #tpu.memory_space<vmem_shared>>
      %dma_start3A_92 = arith.constant 0 : i32
      %dma_start3A_93 = arith.constant 0 : i32
      %dma_start3A_94 = tpu.memref_slice %arg8[%run_scoped3A, %dma_start3A_92, %dma_start3A_93] : memref<2x128x16xf32, #tpu.memory_space<vmem>> -> memref<1x128x16xf32, #tpu.memory_space<vmem>>
      %dma_start3A_95 = tpu.memref_squeeze %dma_start3A_94 : memref<1x128x16xf32, #tpu.memory_space<vmem>> -> memref<128x16xf32, #tpu.memory_space<vmem>>
      tpu.enqueue_dma source(%dma_start3A_95 : memref<128x16xf32, #tpu.memory_space<vmem>>) target(%dma_start3A_91 : memref<128x16xf32, #tpu.memory_space<vmem_shared>>) target_semaphore(%run_scoped3A_83 : memref<!tpu.dma_semaphore, #tpu.memory_space<semaphore_mem>>)
      %dma_wait3A = arith.constant 0 : i32
      %dma_wait3A_96 = arith.constant 0 : i32
      %dma_wait3A_97 = tpu.memref_slice %arg8[%run_scoped3A, %dma_wait3A, %dma_wait3A_96] : memref<2x128x16xf32, #tpu.memory_space<vmem>> -> memref<1x128x16xf32, #tpu.memory_space<vmem>>
      %dma_wait3A_98 = tpu.memref_squeeze %dma_wait3A_97 : memref<1x128x16xf32, #tpu.memory_space<vmem>> -> memref<128x16xf32, #tpu.memory_space<vmem>>
      %dma_wait3A_99 = arith.constant 0 : i32
      %dma_wait3A_100 = tpu.memref_slice %arg9[%add3A_10, %dma_wait3A_99] : memref<10112x16xf32, #tpu.memory_space<vmem_shared>> -> memref<128x16xf32, #tpu.memory_space<vmem_shared>>
      %dma_wait3A_101 = arith.constant 0 : i32
      %dma_wait3A_102 = tpu.memref_slice %arg9[%add3A_10, %dma_wait3A_101] : memref<10112x16xf32, #tpu.memory_space<vmem_shared>> -> memref<128x16xf32, #tpu.memory_space<vmem_shared>>
      %dma_wait3A_103 = arith.constant 0 : i32
      %dma_wait3A_104 = arith.constant 0 : i32
      %dma_wait3A_105 = tpu.memref_slice %arg8[%run_scoped3A, %dma_wait3A_103, %dma_wait3A_104] : memref<2x128x16xf32, #tpu.memory_space<vmem>> -> memref<1x128x16xf32, #tpu.memory_space<vmem>>
      %dma_wait3A_106 = tpu.memref_squeeze %dma_wait3A_105 : memref<1x128x16xf32, #tpu.memory_space<vmem>> -> memref<128x16xf32, #tpu.memory_space<vmem>>
      tpu.wait_dma2 semaphore(%run_scoped3A_83 : memref<!tpu.dma_semaphore, #tpu.memory_space<semaphore_mem>>) src(%dma_wait3A_106 : memref<128x16xf32, #tpu.memory_space<vmem>>) dst(%dma_wait3A_102 : memref<128x16xf32, #tpu.memory_space<vmem_shared>>)
      tpu.yield
    }) : () -> ()
    %add3A_11 = arith.constant 128 : i32
    %add3A_12 = arith.addi %mul3A_8, %add3A_11 : i32
    %run_scoped3A_13 = arith.constant 0 : i32
    "tpu.region"() ({
      %run_scoped3A_83 = tpu.sem_alloc : memref<!tpu.dma_semaphore, #tpu.memory_space<semaphore_mem>>
      %dma_start3A_84 = arith.constant 0 : i32
      %dma_start3A_85 = arith.constant 0 : i32
      %dma_start3A_86 = tpu.memref_slice %arg8[%run_scoped3A_13, %dma_start3A_84, %dma_start3A_85] : memref<2x128x16xf32, #tpu.memory_space<vmem>> -> memref<1x128x16xf32, #tpu.memory_space<vmem>>
      %dma_start3A_87 = tpu.memref_squeeze %dma_start3A_86 : memref<1x128x16xf32, #tpu.memory_space<vmem>> -> memref<128x16xf32, #tpu.memory_space<vmem>>
      %dma_start3A_88 = arith.constant 0 : i32
      %dma_start3A_89 = tpu.memref_slice %arg9[%add3A_12, %dma_start3A_88] : memref<10112x16xf32, #tpu.memory_space<vmem_shared>> -> memref<128x16xf32, #tpu.memory_space<vmem_shared>>
      %dma_start3A_90 = arith.constant 0 : i32
      %dma_start3A_91 = tpu.memref_slice %arg9[%add3A_12, %dma_start3A_90] : memref<10112x16xf32, #tpu.memory_space<vmem_shared>> -> memref<128x16xf32, #tpu.memory_space<vmem_shared>>
      %dma_start3A_92 = arith.constant 0 : i32
      %dma_start3A_93 = arith.constant 0 : i32
      %dma_start3A_94 = tpu.memref_slice %arg8[%run_scoped3A_13, %dma_start3A_92, %dma_start3A_93] : memref<2x128x16xf32, #tpu.memory_space<vmem>> -> memref<1x128x16xf32, #tpu.memory_space<vmem>>
      %dma_start3A_95 = tpu.memref_squeeze %dma_start3A_94 : memref<1x128x16xf32, #tpu.memory_space<vmem>> -> memref<128x16xf32, #tpu.memory_space<vmem>>
      tpu.enqueue_dma source(%dma_start3A_95 : memref<128x16xf32, #tpu.memory_space<vmem>>) target(%dma_start3A_91 : memref<128x16xf32, #tpu.memory_space<vmem_shared>>) target_semaphore(%run_scoped3A_83 : memref<!tpu.dma_semaphore, #tpu.memory_space<semaphore_mem>>)
      %dma_wait3A = arith.constant 0 : i32
      %dma_wait3A_96 = arith.constant 0 : i32
      %dma_wait3A_97 = tpu.memref_slice %arg8[%run_scoped3A_13, %dma_wait3A, %dma_wait3A_96] : memref<2x128x16xf32, #tpu.memory_space<vmem>> -> memref<1x128x16xf32, #tpu.memory_space<vmem>>
      %dma_wait3A_98 = tpu.memref_squeeze %dma_wait3A_97 : memref<1x128x16xf32, #tpu.memory_space<vmem>> -> memref<128x16xf32, #tpu.memory_space<vmem>>
      %dma_wait3A_99 = arith.constant 0 : i32
      %dma_wait3A_100 = tpu.memref_slice %arg9[%add3A_12, %dma_wait3A_99] : memref<10112x16xf32, #tpu.memory_space<vmem_shared>> -> memref<128x16xf32, #tpu.memory_space<vmem_shared>>
      %dma_wait3A_101 = arith.constant 0 : i32
      %dma_wait3A_102 = tpu.memref_slice %arg9[%add3A_12, %dma_wait3A_101] : memref<10112x16xf32, #tpu.memory_space<vmem_shared>> -> memref<128x16xf32, #tpu.memory_space<vmem_shared>>
      %dma_wait3A_103 = arith.constant 0 : i32
      %dma_wait3A_104 = arith.constant 0 : i32
      %dma_wait3A_105 = tpu.memref_slice %arg8[%run_scoped3A_13, %dma_wait3A_103, %dma_wait3A_104] : memref<2x128x16xf32, #tpu.memory_space<vmem>> -> memref<1x128x16xf32, #tpu.memory_space<vmem>>
      %dma_wait3A_106 = tpu.memref_squeeze %dma_wait3A_105 : memref<1x128x16xf32, #tpu.memory_space<vmem>> -> memref<128x16xf32, #tpu.memory_space<vmem>>
      tpu.wait_dma2 semaphore(%run_scoped3A_83 : memref<!tpu.dma_semaphore, #tpu.memory_space<semaphore_mem>>) src(%dma_wait3A_106 : memref<128x16xf32, #tpu.memory_space<vmem>>) dst(%dma_wait3A_102 : memref<128x16xf32, #tpu.memory_space<vmem_shared>>)
      tpu.yield
    }) : () -> ()
    %add3A_14 = arith.constant 256 : i32
    %add3A_15 = arith.addi %mul3A_8, %add3A_14 : i32
    %run_scoped3A_16 = arith.constant 0 : i32
    "tpu.region"() ({
      %run_scoped3A_83 = tpu.sem_alloc : memref<!tpu.dma_semaphore, #tpu.memory_space<semaphore_mem>>
      %dma_start3A_84 = arith.constant 0 : i32
      %dma_start3A_85 = arith.constant 0 : i32
      %dma_start3A_86 = tpu.memref_slice %arg8[%run_scoped3A_16, %dma_start3A_84, %dma_start3A_85] : memref<2x128x16xf32, #tpu.memory_space<vmem>> -> memref<1x128x16xf32, #tpu.memory_space<vmem>>
      %dma_start3A_87 = tpu.memref_squeeze %dma_start3A_86 : memref<1x128x16xf32, #tpu.memory_space<vmem>> -> memref<128x16xf32, #tpu.memory_space<vmem>>
      %dma_start3A_88 = arith.constant 0 : i32
      %dma_start3A_89 = tpu.memref_slice %arg9[%add3A_15, %dma_start3A_88] : memref<10112x16xf32, #tpu.memory_space<vmem_shared>> -> memref<128x16xf32, #tpu.memory_space<vmem_shared>>
      %dma_start3A_90 = arith.constant 0 : i32
      %dma_start3A_91 = tpu.memref_slice %arg9[%add3A_15, %dma_start3A_90] : memref<10112x16xf32, #tpu.memory_space<vmem_shared>> -> memref<128x16xf32, #tpu.memory_space<vmem_shared>>
      %dma_start3A_92 = arith.constant 0 : i32
      %dma_start3A_93 = arith.constant 0 : i32
      %dma_start3A_94 = tpu.memref_slice %arg8[%run_scoped3A_16, %dma_start3A_92, %dma_start3A_93] : memref<2x128x16xf32, #tpu.memory_space<vmem>> -> memref<1x128x16xf32, #tpu.memory_space<vmem>>
      %dma_start3A_95 = tpu.memref_squeeze %dma_start3A_94 : memref<1x128x16xf32, #tpu.memory_space<vmem>> -> memref<128x16xf32, #tpu.memory_space<vmem>>
      tpu.enqueue_dma source(%dma_start3A_95 : memref<128x16xf32, #tpu.memory_space<vmem>>) target(%dma_start3A_91 : memref<128x16xf32, #tpu.memory_space<vmem_shared>>) target_semaphore(%run_scoped3A_83 : memref<!tpu.dma_semaphore, #tpu.memory_space<semaphore_mem>>)
      %dma_wait3A = arith.constant 0 : i32
      %dma_wait3A_96 = arith.constant 0 : i32
      %dma_wait3A_97 = tpu.memref_slice %arg8[%run_scoped3A_16, %dma_wait3A, %dma_wait3A_96] : memref<2x128x16xf32, #tpu.memory_space<vmem>> -> memref<1x128x16xf32, #tpu.memory_space<vmem>>
      %dma_wait3A_98 = tpu.memref_squeeze %dma_wait3A_97 : memref<1x128x16xf32, #tpu.memory_space<vmem>> -> memref<128x16xf32, #tpu.memory_space<vmem>>
      %dma_wait3A_99 = arith.constant 0 : i32
      %dma_wait3A_100 = tpu.memref_slice %arg9[%add3A_15, %dma_wait3A_99] : memref<10112x16xf32, #tpu.memory_space<vmem_shared>> -> memref<128x16xf32, #tpu.memory_space<vmem_shared>>
      %dma_wait3A_101 = arith.constant 0 : i32
      %dma_wait3A_102 = tpu.memref_slice %arg9[%add3A_15, %dma_wait3A_101] : memref<10112x16xf32, #tpu.memory_space<vmem_shared>> -> memref<128x16xf32, #tpu.memory_space<vmem_shared>>
      %dma_wait3A_103 = arith.constant 0 : i32
      %dma_wait3A_104 = arith.constant 0 : i32
      %dma_wait3A_105 = tpu.memref_slice %arg8[%run_scoped3A_16, %dma_wait3A_103, %dma_wait3A_104] : memref<2x128x16xf32, #tpu.memory_space<vmem>> -> memref<1x128x16xf32, #tpu.memory_space<vmem>>
      %dma_wait3A_106 = tpu.memref_squeeze %dma_wait3A_105 : memref<1x128x16xf32, #tpu.memory_space<vmem>> -> memref<128x16xf32, #tpu.memory_space<vmem>>
      tpu.wait_dma2 semaphore(%run_scoped3A_83 : memref<!tpu.dma_semaphore, #tpu.memory_space<semaphore_mem>>) src(%dma_wait3A_106 : memref<128x16xf32, #tpu.memory_space<vmem>>) dst(%dma_wait3A_102 : memref<128x16xf32, #tpu.memory_space<vmem_shared>>)
      tpu.yield
    }) : () -> ()
    %add3A_17 = arith.constant 384 : i32
    %add3A_18 = arith.addi %mul3A_8, %add3A_17 : i32
    %run_scoped3A_19 = arith.constant 0 : i32
    "tpu.region"() ({
      %run_scoped3A_83 = tpu.sem_alloc : memref<!tpu.dma_semaphore, #tpu.memory_space<semaphore_mem>>
      %dma_start3A_84 = arith.constant 0 : i32
      %dma_start3A_85 = arith.constant 0 : i32
      %dma_start3A_86 = tpu.memref_slice %arg8[%run_scoped3A_19, %dma_start3A_84, %dma_start3A_85] : memref<2x128x16xf32, #tpu.memory_space<vmem>> -> memref<1x128x16xf32, #tpu.memory_space<vmem>>
      %dma_start3A_87 = tpu.memref_squeeze %dma_start3A_86 : memref<1x128x16xf32, #tpu.memory_space<vmem>> -> memref<128x16xf32, #tpu.memory_space<vmem>>
      %dma_start3A_88 = arith.constant 0 : i32
      %dma_start3A_89 = tpu.memref_slice %arg9[%add3A_18, %dma_start3A_88] : memref<10112x16xf32, #tpu.memory_space<vmem_shared>> -> memref<128x16xf32, #tpu.memory_space<vmem_shared>>
      %dma_start3A_90 = arith.constant 0 : i32
      %dma_start3A_91 = tpu.memref_slice %arg9[%add3A_18, %dma_start3A_90] : memref<10112x16xf32, #tpu.memory_space<vmem_shared>> -> memref<128x16xf32, #tpu.memory_space<vmem_shared>>
      %dma_start3A_92 = arith.constant 0 : i32
      %dma_start3A_93 = arith.constant 0 : i32
      %dma_start3A_94 = tpu.memref_slice %arg8[%run_scoped3A_19, %dma_start3A_92, %dma_start3A_93] : memref<2x128x16xf32, #tpu.memory_space<vmem>> -> memref<1x128x16xf32, #tpu.memory_space<vmem>>
      %dma_start3A_95 = tpu.memref_squeeze %dma_start3A_94 : memref<1x128x16xf32, #tpu.memory_space<vmem>> -> memref<128x16xf32, #tpu.memory_space<vmem>>
      tpu.enqueue_dma source(%dma_start3A_95 : memref<128x16xf32, #tpu.memory_space<vmem>>) target(%dma_start3A_91 : memref<128x16xf32, #tpu.memory_space<vmem_shared>>) target_semaphore(%run_scoped3A_83 : memref<!tpu.dma_semaphore, #tpu.memory_space<semaphore_mem>>)
      %dma_wait3A = arith.constant 0 : i32
      %dma_wait3A_96 = arith.constant 0 : i32
      %dma_wait3A_97 = tpu.memref_slice %arg8[%run_scoped3A_19, %dma_wait3A, %dma_wait3A_96] : memref<2x128x16xf32, #tpu.memory_space<vmem>> -> memref<1x128x16xf32, #tpu.memory_space<vmem>>
      %dma_wait3A_98 = tpu.memref_squeeze %dma_wait3A_97 : memref<1x128x16xf32, #tpu.memory_space<vmem>> -> memref<128x16xf32, #tpu.memory_space<vmem>>
      %dma_wait3A_99 = arith.constant 0 : i32
      %dma_wait3A_100 = tpu.memref_slice %arg9[%add3A_18, %dma_wait3A_99] : memref<10112x16xf32, #tpu.memory_space<vmem_shared>> -> memref<128x16xf32, #tpu.memory_space<vmem_shared>>
      %dma_wait3A_101 = arith.constant 0 : i32
      %dma_wait3A_102 = tpu.memref_slice %arg9[%add3A_18, %dma_wait3A_101] : memref<10112x16xf32, #tpu.memory_space<vmem_shared>> -> memref<128x16xf32, #tpu.memory_space<vmem_shared>>
      %dma_wait3A_103 = arith.constant 0 : i32
      %dma_wait3A_104 = arith.constant 0 : i32
      %dma_wait3A_105 = tpu.memref_slice %arg8[%run_scoped3A_19, %dma_wait3A_103, %dma_wait3A_104] : memref<2x128x16xf32, #tpu.memory_space<vmem>> -> memref<1x128x16xf32, #tpu.memory_space<vmem>>
      %dma_wait3A_106 = tpu.memref_squeeze %dma_wait3A_105 : memref<1x128x16xf32, #tpu.memory_space<vmem>> -> memref<128x16xf32, #tpu.memory_space<vmem>>
      tpu.wait_dma2 semaphore(%run_scoped3A_83 : memref<!tpu.dma_semaphore, #tpu.memory_space<semaphore_mem>>) src(%dma_wait3A_106 : memref<128x16xf32, #tpu.memory_space<vmem>>) dst(%dma_wait3A_102 : memref<128x16xf32, #tpu.memory_space<vmem_shared>>)
      tpu.yield
    }) : () -> ()
    %add3A_20 = arith.constant 512 : i32
    %add3A_21 = arith.addi %mul3A_8, %add3A_20 : i32
    %run_scoped3A_22 = arith.constant 0 : i32
    "tpu.region"() ({
      %run_scoped3A_83 = tpu.sem_alloc : memref<!tpu.dma_semaphore, #tpu.memory_space<semaphore_mem>>
      %dma_start3A_84 = arith.constant 0 : i32
      %dma_start3A_85 = arith.constant 0 : i32
      %dma_start3A_86 = tpu.memref_slice %arg8[%run_scoped3A_22, %dma_start3A_84, %dma_start3A_85] : memref<2x128x16xf32, #tpu.memory_space<vmem>> -> memref<1x120x16xf32, #tpu.memory_space<vmem>>
      %dma_start3A_87 = tpu.memref_squeeze %dma_start3A_86 : memref<1x120x16xf32, #tpu.memory_space<vmem>> -> memref<120x16xf32, #tpu.memory_space<vmem>>
      %dma_start3A_88 = arith.constant 0 : i32
      %dma_start3A_89 = tpu.memref_slice %arg9[%add3A_21, %dma_start3A_88] : memref<10112x16xf32, #tpu.memory_space<vmem_shared>> -> memref<120x16xf32, #tpu.memory_space<vmem_shared>>
      %dma_start3A_90 = arith.constant 0 : i32
      %dma_start3A_91 = tpu.memref_slice %arg9[%add3A_21, %dma_start3A_90] : memref<10112x16xf32, #tpu.memory_space<vmem_shared>> -> memref<120x16xf32, #tpu.memory_space<vmem_shared>>
      %dma_start3A_92 = arith.constant 0 : i32
      %dma_start3A_93 = arith.constant 0 : i32
      %dma_start3A_94 = tpu.memref_slice %arg8[%run_scoped3A_22, %dma_start3A_92, %dma_start3A_93] : memref<2x128x16xf32, #tpu.memory_space<vmem>> -> memref<1x120x16xf32, #tpu.memory_space<vmem>>
      %dma_start3A_95 = tpu.memref_squeeze %dma_start3A_94 : memref<1x120x16xf32, #tpu.memory_space<vmem>> -> memref<120x16xf32, #tpu.memory_space<vmem>>
      tpu.enqueue_dma source(%dma_start3A_95 : memref<120x16xf32, #tpu.memory_space<vmem>>) target(%dma_start3A_91 : memref<120x16xf32, #tpu.memory_space<vmem_shared>>) target_semaphore(%run_scoped3A_83 : memref<!tpu.dma_semaphore, #tpu.memory_space<semaphore_mem>>)
      %dma_wait3A = arith.constant 0 : i32
      %dma_wait3A_96 = arith.constant 0 : i32
      %dma_wait3A_97 = tpu.memref_slice %arg8[%run_scoped3A_22, %dma_wait3A, %dma_wait3A_96] : memref<2x128x16xf32, #tpu.memory_space<vmem>> -> memref<1x120x16xf32, #tpu.memory_space<vmem>>
      %dma_wait3A_98 = tpu.memref_squeeze %dma_wait3A_97 : memref<1x120x16xf32, #tpu.memory_space<vmem>> -> memref<120x16xf32, #tpu.memory_space<vmem>>
      %dma_wait3A_99 = arith.constant 0 : i32
      %dma_wait3A_100 = tpu.memref_slice %arg9[%add3A_21, %dma_wait3A_99] : memref<10112x16xf32, #tpu.memory_space<vmem_shared>> -> memref<120x16xf32, #tpu.memory_space<vmem_shared>>
      %dma_wait3A_101 = arith.constant 0 : i32
      %dma_wait3A_102 = tpu.memref_slice %arg9[%add3A_21, %dma_wait3A_101] : memref<10112x16xf32, #tpu.memory_space<vmem_shared>> -> memref<120x16xf32, #tpu.memory_space<vmem_shared>>
      %dma_wait3A_103 = arith.constant 0 : i32
      %dma_wait3A_104 = arith.constant 0 : i32
      %dma_wait3A_105 = tpu.memref_slice %arg8[%run_scoped3A_22, %dma_wait3A_103, %dma_wait3A_104] : memref<2x128x16xf32, #tpu.memory_space<vmem>> -> memref<1x120x16xf32, #tpu.memory_space<vmem>>
      %dma_wait3A_106 = tpu.memref_squeeze %dma_wait3A_105 : memref<1x120x16xf32, #tpu.memory_space<vmem>> -> memref<120x16xf32, #tpu.memory_space<vmem>>
      tpu.wait_dma2 semaphore(%run_scoped3A_83 : memref<!tpu.dma_semaphore, #tpu.memory_space<semaphore_mem>>) src(%dma_wait3A_106 : memref<120x16xf32, #tpu.memory_space<vmem>>) dst(%dma_wait3A_102 : memref<120x16xf32, #tpu.memory_space<vmem_shared>>)
      tpu.yield
    }) : () -> ()
    %barrier3A = arith.constant 0 : index
    tpu.barrier barrier_id(%barrier3A)
    "tpu.region"() ({
      %run_scoped3A_83 = tpu.sem_alloc : memref<!tpu.dma_semaphore, #tpu.memory_space<semaphore_mem>>
      %dma_start3A_84 = arith.constant 0 : i32
      %dma_start3A_85 = arith.constant 0 : i32
      %dma_start3A_86 = tpu.memref_slice %arg2[%add3A, %dma_start3A_84, %dma_start3A_85] : memref<32x80x128xi32, #tpu.memory_space<hbm>> -> memref<1x40x128xi32, #tpu.memory_space<hbm>>
      %dma_start3A_87 = tpu.memref_squeeze %dma_start3A_86 : memref<1x40x128xi32, #tpu.memory_space<hbm>> -> memref<40x128xi32, #tpu.memory_space<hbm>>
      %dma_start3A_88 = arith.constant 0 : i32
      %dma_start3A_89 = arith.constant 0 : i32
      %dma_start3A_90 = tpu.memref_slice %arg2[%add3A, %dma_start3A_88, %dma_start3A_89] : memref<32x80x128xi32, #tpu.memory_space<hbm>> -> memref<1x40x128xi32, #tpu.memory_space<hbm>>
      %dma_start3A_91 = tpu.memref_squeeze %dma_start3A_90 : memref<1x40x128xi32, #tpu.memory_space<hbm>> -> memref<40x128xi32, #tpu.memory_space<hbm>>
      tpu.enqueue_dma source(%dma_start3A_91 : memref<40x128xi32, #tpu.memory_space<hbm>>) target(%arg6 : memref<40x128xi32, #tpu.memory_space<vmem>>) target_semaphore(%run_scoped3A_83 : memref<!tpu.dma_semaphore, #tpu.memory_space<semaphore_mem>>)
      %dma_wait3A = arith.constant 0 : i32
      %dma_wait3A_92 = arith.constant 0 : i32
      %dma_wait3A_93 = tpu.memref_slice %arg2[%add3A, %dma_wait3A, %dma_wait3A_92] : memref<32x80x128xi32, #tpu.memory_space<hbm>> -> memref<1x40x128xi32, #tpu.memory_space<hbm>>
      %dma_wait3A_94 = tpu.memref_squeeze %dma_wait3A_93 : memref<1x40x128xi32, #tpu.memory_space<hbm>> -> memref<40x128xi32, #tpu.memory_space<hbm>>
      %dma_wait3A_95 = arith.constant 0 : i32
      %dma_wait3A_96 = arith.constant 0 : i32
      %dma_wait3A_97 = tpu.memref_slice %arg2[%add3A, %dma_wait3A_95, %dma_wait3A_96] : memref<32x80x128xi32, #tpu.memory_space<hbm>> -> memref<1x40x128xi32, #tpu.memory_space<hbm>>
      %dma_wait3A_98 = tpu.memref_squeeze %dma_wait3A_97 : memref<1x40x128xi32, #tpu.memory_space<hbm>> -> memref<40x128xi32, #tpu.memory_space<hbm>>
      tpu.wait_dma2 semaphore(%run_scoped3A_83 : memref<!tpu.dma_semaphore, #tpu.memory_space<semaphore_mem>>) src(%dma_wait3A_98 : memref<40x128xi32, #tpu.memory_space<hbm>>) dst(%arg6 : memref<40x128xi32, #tpu.memory_space<vmem>>)
      tpu.yield
    }) : () -> ()
    "tpu.region"() ({
      %run_scoped3A_83 = tpu.sem_alloc : memref<!tpu.dma_semaphore, #tpu.memory_space<semaphore_mem>>
      %dma_start3A_84 = arith.constant 0 : i32
      %dma_start3A_85 = arith.constant 0 : i32
      %dma_start3A_86 = tpu.memref_slice %arg3[%add3A, %dma_start3A_84, %dma_start3A_85] : memref<32x80x128xi32, #tpu.memory_space<hbm>> -> memref<1x40x128xi32, #tpu.memory_space<hbm>>
      %dma_start3A_87 = tpu.memref_squeeze %dma_start3A_86 : memref<1x40x128xi32, #tpu.memory_space<hbm>> -> memref<40x128xi32, #tpu.memory_space<hbm>>
      %dma_start3A_88 = arith.constant 0 : i32
      %dma_start3A_89 = arith.constant 0 : i32
      %dma_start3A_90 = tpu.memref_slice %arg3[%add3A, %dma_start3A_88, %dma_start3A_89] : memref<32x80x128xi32, #tpu.memory_space<hbm>> -> memref<1x40x128xi32, #tpu.memory_space<hbm>>
      %dma_start3A_91 = tpu.memref_squeeze %dma_start3A_90 : memref<1x40x128xi32, #tpu.memory_space<hbm>> -> memref<40x128xi32, #tpu.memory_space<hbm>>
      tpu.enqueue_dma source(%dma_start3A_91 : memref<40x128xi32, #tpu.memory_space<hbm>>) target(%arg7 : memref<40x128xi32, #tpu.memory_space<vmem>>) target_semaphore(%run_scoped3A_83 : memref<!tpu.dma_semaphore, #tpu.memory_space<semaphore_mem>>)
      %dma_wait3A = arith.constant 0 : i32
      %dma_wait3A_92 = arith.constant 0 : i32
      %dma_wait3A_93 = tpu.memref_slice %arg3[%add3A, %dma_wait3A, %dma_wait3A_92] : memref<32x80x128xi32, #tpu.memory_space<hbm>> -> memref<1x40x128xi32, #tpu.memory_space<hbm>>
      %dma_wait3A_94 = tpu.memref_squeeze %dma_wait3A_93 : memref<1x40x128xi32, #tpu.memory_space<hbm>> -> memref<40x128xi32, #tpu.memory_space<hbm>>
      %dma_wait3A_95 = arith.constant 0 : i32
      %dma_wait3A_96 = arith.constant 0 : i32
      %dma_wait3A_97 = tpu.memref_slice %arg3[%add3A, %dma_wait3A_95, %dma_wait3A_96] : memref<32x80x128xi32, #tpu.memory_space<hbm>> -> memref<1x40x128xi32, #tpu.memory_space<hbm>>
      %dma_wait3A_98 = tpu.memref_squeeze %dma_wait3A_97 : memref<1x40x128xi32, #tpu.memory_space<hbm>> -> memref<40x128xi32, #tpu.memory_space<hbm>>
      tpu.wait_dma2 semaphore(%run_scoped3A_83 : memref<!tpu.dma_semaphore, #tpu.memory_space<semaphore_mem>>) src(%dma_wait3A_98 : memref<40x128xi32, #tpu.memory_space<hbm>>) dst(%arg7 : memref<40x128xi32, #tpu.memory_space<vmem>>)
      tpu.yield
    }) : () -> ()
    %dma_start3A = arith.constant 0 : i32
    %dma_start3A_23 = arith.constant 0 : i32
    %dma_start3A_24 = arith.constant 0 : i32
    %dma_start3A_25 = arith.constant 0 : i32
    %dma_start3A_26 = tpu.memref_slice %arg8[%dma_start3A_23, %dma_start3A_24, %dma_start3A_25] : memref<2x128x16xf32, #tpu.memory_space<vmem>> -> memref<1x128x16xf32, #tpu.memory_space<vmem>>
    %dma_start3A_27 = tpu.memref_squeeze %dma_start3A_26 : memref<1x128x16xf32, #tpu.memory_space<vmem>> -> memref<128x16xf32, #tpu.memory_space<vmem>>
    %dma_start3A_28 = arith.constant 0 : i32
    %dma_start3A_29 = tpu.memref_slice %arg6[%dma_start3A, %dma_start3A_28] : memref<40x128xi32, #tpu.memory_space<vmem>> -> memref<1x128xi32, #tpu.memory_space<vmem>>
    %dma_start3A_30 = tpu.memref_squeeze %dma_start3A_29 : memref<1x128xi32, #tpu.memory_space<vmem>> -> memref<128xi32, #tpu.memory_space<vmem>>
    %dma_start3A_31 = arith.constant 0 : i32
    %dma_start3A_32 = arith.constant 0 : i32
    %dma_start3A_33 = tpu.memref_slice %arg4[%dma_start3A_31, %dma_start3A_32] : memref<10112x16xf32, #tpu.memory_space<hbm>> -> memref<10112x16xf32, #tpu.memory_space<hbm>>
    tpu.enqueue_indirect_dma source(%dma_start3A_33 : memref<10112x16xf32, #tpu.memory_space<hbm>>) target(%dma_start3A_27 : memref<128x16xf32, #tpu.memory_space<vmem>>) offsets(%dma_start3A_30 : memref<128xi32, #tpu.memory_space<vmem>>) semaphore(%arg10 : memref<!tpu.dma_semaphore, #tpu.memory_space<semaphore_mem>>)
    %dma_start3A_34 = arith.constant 1 : i32
    %dma_start3A_35 = arith.constant 1 : i32
    %dma_start3A_36 = arith.constant 0 : i32
    %dma_start3A_37 = arith.constant 0 : i32
    %dma_start3A_38 = tpu.memref_slice %arg8[%dma_start3A_35, %dma_start3A_36, %dma_start3A_37] : memref<2x128x16xf32, #tpu.memory_space<vmem>> -> memref<1x128x16xf32, #tpu.memory_space<vmem>>
    %dma_start3A_39 = tpu.memref_squeeze %dma_start3A_38 : memref<1x128x16xf32, #tpu.memory_space<vmem>> -> memref<128x16xf32, #tpu.memory_space<vmem>>
    %dma_start3A_40 = arith.constant 0 : i32
    %dma_start3A_41 = tpu.memref_slice %arg6[%dma_start3A_34, %dma_start3A_40] : memref<40x128xi32, #tpu.memory_space<vmem>> -> memref<1x128xi32, #tpu.memory_space<vmem>>
    %dma_start3A_42 = tpu.memref_squeeze %dma_start3A_41 : memref<1x128xi32, #tpu.memory_space<vmem>> -> memref<128xi32, #tpu.memory_space<vmem>>
    %dma_start3A_43 = arith.constant 0 : i32
    %dma_start3A_44 = arith.constant 0 : i32
    %dma_start3A_45 = tpu.memref_slice %arg4[%dma_start3A_43, %dma_start3A_44] : memref<10112x16xf32, #tpu.memory_space<hbm>> -> memref<10112x16xf32, #tpu.memory_space<hbm>>
    tpu.enqueue_indirect_dma source(%dma_start3A_45 : memref<10112x16xf32, #tpu.memory_space<hbm>>) target(%dma_start3A_39 : memref<128x16xf32, #tpu.memory_space<vmem>>) offsets(%dma_start3A_42 : memref<128xi32, #tpu.memory_space<vmem>>) semaphore(%arg11 : memref<!tpu.dma_semaphore, #tpu.memory_space<semaphore_mem>>)
    %scan3A_46 = arith.constant 0 : i32
    %scan3A_47 = arith.constant 0 : i32
    %scan3A_48 = arith.constant 20 : i32
    %scan3A_49 = arith.addi %scan3A_47, %scan3A_48 : i32
    %scan3A_50 = arith.constant 1 : i32
    scf.for %scan3A_83 = %scan3A_47 to %scan3A_49 step %scan3A_50  : i32 {
      %mul3A_84 = arith.constant 2 : i32
      %mul3A_85 = arith.muli %mul3A_84, %scan3A_83 : i32
      %add3A_86 = arith.constant 1 : i32
      %add3A_87 = arith.addi %mul3A_85, %add3A_86 : i32
      %dma_wait3A = arith.constant 0 : i32
      %dma_wait3A_88 = arith.constant 0 : i32
      %dma_wait3A_89 = arith.constant 0 : i32
      %dma_wait3A_90 = tpu.memref_slice %arg8[%dma_wait3A, %dma_wait3A_88, %dma_wait3A_89] : memref<2x128x16xf32, #tpu.memory_space<vmem>> -> memref<1x128x16xf32, #tpu.memory_space<vmem>>
      %dma_wait3A_91 = tpu.memref_squeeze %dma_wait3A_90 : memref<1x128x16xf32, #tpu.memory_space<vmem>> -> memref<128x16xf32, #tpu.memory_space<vmem>>
      %dma_wait3A_92 = arith.constant 0 : i32
      %dma_wait3A_93 = tpu.memref_slice %arg6[%mul3A_85, %dma_wait3A_92] : memref<40x128xi32, #tpu.memory_space<vmem>> -> memref<1x128xi32, #tpu.memory_space<vmem>>
      %dma_wait3A_94 = tpu.memref_squeeze %dma_wait3A_93 : memref<1x128xi32, #tpu.memory_space<vmem>> -> memref<128xi32, #tpu.memory_space<vmem>>
      %dma_wait3A_95 = arith.constant 0 : i32
      %dma_wait3A_96 = arith.constant 0 : i32
      %dma_wait3A_97 = tpu.memref_slice %arg4[%dma_wait3A_95, %dma_wait3A_96] : memref<10112x16xf32, #tpu.memory_space<hbm>> -> memref<10112x16xf32, #tpu.memory_space<hbm>>
      tpu.wait_indirect_dma semaphore(%arg10 : memref<!tpu.dma_semaphore, #tpu.memory_space<semaphore_mem>>) src(%dma_wait3A_97 : memref<10112x16xf32, #tpu.memory_space<hbm>>) dst(%dma_wait3A_91 : memref<128x16xf32, #tpu.memory_space<vmem>>)
      %run_scoped3A_98 = arith.constant 0 : i32
      "tpu.region"() ({
        %run_scoped3A_122 = tpu.sem_alloc : memref<!tpu.dma_semaphore, #tpu.memory_space<semaphore_mem>>
        %dma_start3A_123 = arith.constant 0 : i32
        %dma_start3A_124 = arith.constant 0 : i32
        %dma_start3A_125 = tpu.memref_slice %arg8[%run_scoped3A_98, %dma_start3A_123, %dma_start3A_124] : memref<2x128x16xf32, #tpu.memory_space<vmem>> -> memref<1x128x16xf32, #tpu.memory_space<vmem>>
        %dma_start3A_126 = tpu.memref_squeeze %dma_start3A_125 : memref<1x128x16xf32, #tpu.memory_space<vmem>> -> memref<128x16xf32, #tpu.memory_space<vmem>>
        %dma_start3A_127 = arith.constant 0 : i32
        %dma_start3A_128 = tpu.memref_slice %arg7[%mul3A_85, %dma_start3A_127] : memref<40x128xi32, #tpu.memory_space<vmem>> -> memref<1x128xi32, #tpu.memory_space<vmem>>
        %dma_start3A_129 = tpu.memref_squeeze %dma_start3A_128 : memref<1x128xi32, #tpu.memory_space<vmem>> -> memref<128xi32, #tpu.memory_space<vmem>>
        %dma_start3A_130 = arith.constant 0 : i32
        %dma_start3A_131 = arith.constant 0 : i32
        %dma_start3A_132 = tpu.memref_slice %arg9[%dma_start3A_130, %dma_start3A_131] : memref<10112x16xf32, #tpu.memory_space<vmem_shared>> -> memref<10112x16xf32, #tpu.memory_space<vmem_shared>>
        tpu.enqueue_indirect_dma source(%dma_start3A_126 : memref<128x16xf32, #tpu.memory_space<vmem>>) target(%dma_start3A_132 : memref<10112x16xf32, #tpu.memory_space<vmem_shared>>) offsets(%dma_start3A_129 : memref<128xi32, #tpu.memory_space<vmem>>) semaphore(%run_scoped3A_122 : memref<!tpu.dma_semaphore, #tpu.memory_space<semaphore_mem>>) {add = true}
        %dma_wait3A_133 = arith.constant 0 : i32
        %dma_wait3A_134 = arith.constant 0 : i32
        %dma_wait3A_135 = tpu.memref_slice %arg8[%run_scoped3A_98, %dma_wait3A_133, %dma_wait3A_134] : memref<2x128x16xf32, #tpu.memory_space<vmem>> -> memref<1x128x16xf32, #tpu.memory_space<vmem>>
        %dma_wait3A_136 = tpu.memref_squeeze %dma_wait3A_135 : memref<1x128x16xf32, #tpu.memory_space<vmem>> -> memref<128x16xf32, #tpu.memory_space<vmem>>
        %dma_wait3A_137 = arith.constant 0 : i32
        %dma_wait3A_138 = tpu.memref_slice %arg7[%mul3A_85, %dma_wait3A_137] : memref<40x128xi32, #tpu.memory_space<vmem>> -> memref<1x128xi32, #tpu.memory_space<vmem>>
        %dma_wait3A_139 = tpu.memref_squeeze %dma_wait3A_138 : memref<1x128xi32, #tpu.memory_space<vmem>> -> memref<128xi32, #tpu.memory_space<vmem>>
        %dma_wait3A_140 = arith.constant 0 : i32
        %dma_wait3A_141 = arith.constant 0 : i32
        %dma_wait3A_142 = tpu.memref_slice %arg9[%dma_wait3A_140, %dma_wait3A_141] : memref<10112x16xf32, #tpu.memory_space<vmem_shared>> -> memref<10112x16xf32, #tpu.memory_space<vmem_shared>>
        tpu.wait_indirect_dma semaphore(%run_scoped3A_122 : memref<!tpu.dma_semaphore, #tpu.memory_space<semaphore_mem>>) src(%dma_wait3A_136 : memref<128x16xf32, #tpu.memory_space<vmem>>) dst(%dma_wait3A_142 : memref<10112x16xf32, #tpu.memory_space<vmem_shared>>)
        tpu.yield
      }) : () -> ()
      %add3A_99 = arith.constant 2 : i32
      %add3A_100 = arith.addi %mul3A_85, %add3A_99 : i32
      %lt3A = arith.constant 40 : i32
      %lt3A_101 = arith.cmpi slt, %add3A_100, %lt3A : i32
      %convert_element_type3A = arith.extui %lt3A_101 : i1 to i32
      %cond3A = arith.constant 0 : i32
      %cond3A_102 = arith.cmpi ne, %convert_element_type3A, %cond3A : i32
      scf.if %cond3A_102 {
        %add3A_122 = arith.constant 2 : i32
        %add3A_123 = arith.addi %mul3A_85, %add3A_122 : i32
        %dma_start3A_124 = arith.constant 0 : i32
        %dma_start3A_125 = arith.constant 0 : i32
        %dma_start3A_126 = arith.constant 0 : i32
        %dma_start3A_127 = tpu.memref_slice %arg8[%dma_start3A_124, %dma_start3A_125, %dma_start3A_126] : memref<2x128x16xf32, #tpu.memory_space<vmem>> -> memref<1x128x16xf32, #tpu.memory_space<vmem>>
        %dma_start3A_128 = tpu.memref_squeeze %dma_start3A_127 : memref<1x128x16xf32, #tpu.memory_space<vmem>> -> memref<128x16xf32, #tpu.memory_space<vmem>>
        %dma_start3A_129 = arith.constant 0 : i32
        %dma_start3A_130 = tpu.memref_slice %arg6[%add3A_123, %dma_start3A_129] : memref<40x128xi32, #tpu.memory_space<vmem>> -> memref<1x128xi32, #tpu.memory_space<vmem>>
        %dma_start3A_131 = tpu.memref_squeeze %dma_start3A_130 : memref<1x128xi32, #tpu.memory_space<vmem>> -> memref<128xi32, #tpu.memory_space<vmem>>
        %dma_start3A_132 = arith.constant 0 : i32
        %dma_start3A_133 = arith.constant 0 : i32
        %dma_start3A_134 = tpu.memref_slice %arg4[%dma_start3A_132, %dma_start3A_133] : memref<10112x16xf32, #tpu.memory_space<hbm>> -> memref<10112x16xf32, #tpu.memory_space<hbm>>
        tpu.enqueue_indirect_dma source(%dma_start3A_134 : memref<10112x16xf32, #tpu.memory_space<hbm>>) target(%dma_start3A_128 : memref<128x16xf32, #tpu.memory_space<vmem>>) offsets(%dma_start3A_131 : memref<128xi32, #tpu.memory_space<vmem>>) semaphore(%arg10 : memref<!tpu.dma_semaphore, #tpu.memory_space<semaphore_mem>>)
      } else {
      }
      %dma_wait3A_103 = arith.constant 1 : i32
      %dma_wait3A_104 = arith.constant 0 : i32
      %dma_wait3A_105 = arith.constant 0 : i32
      %dma_wait3A_106 = tpu.memref_slice %arg8[%dma_wait3A_103, %dma_wait3A_104, %dma_wait3A_105] : memref<2x128x16xf32, #tpu.memory_space<vmem>> -> memref<1x128x16xf32, #tpu.memory_space<vmem>>
      %dma_wait3A_107 = tpu.memref_squeeze %dma_wait3A_106 : memref<1x128x16xf32, #tpu.memory_space<vmem>> -> memref<128x16xf32, #tpu.memory_space<vmem>>
      %dma_wait3A_108 = arith.constant 0 : i32
      %dma_wait3A_109 = tpu.memref_slice %arg6[%add3A_87, %dma_wait3A_108] : memref<40x128xi32, #tpu.memory_space<vmem>> -> memref<1x128xi32, #tpu.memory_space<vmem>>
      %dma_wait3A_110 = tpu.memref_squeeze %dma_wait3A_109 : memref<1x128xi32, #tpu.memory_space<vmem>> -> memref<128xi32, #tpu.memory_space<vmem>>
      %dma_wait3A_111 = arith.constant 0 : i32
      %dma_wait3A_112 = arith.constant 0 : i32
      %dma_wait3A_113 = tpu.memref_slice %arg4[%dma_wait3A_111, %dma_wait3A_112] : memref<10112x16xf32, #tpu.memory_space<hbm>> -> memref<10112x16xf32, #tpu.memory_space<hbm>>
      tpu.wait_indirect_dma semaphore(%arg11 : memref<!tpu.dma_semaphore, #tpu.memory_space<semaphore_mem>>) src(%dma_wait3A_113 : memref<10112x16xf32, #tpu.memory_space<hbm>>) dst(%dma_wait3A_107 : memref<128x16xf32, #tpu.memory_space<vmem>>)
      %run_scoped3A_114 = arith.constant 1 : i32
      "tpu.region"() ({
        %run_scoped3A_122 = tpu.sem_alloc : memref<!tpu.dma_semaphore, #tpu.memory_space<semaphore_mem>>
        %dma_start3A_123 = arith.constant 0 : i32
        %dma_start3A_124 = arith.constant 0 : i32
        %dma_start3A_125 = tpu.memref_slice %arg8[%run_scoped3A_114, %dma_start3A_123, %dma_start3A_124] : memref<2x128x16xf32, #tpu.memory_space<vmem>> -> memref<1x128x16xf32, #tpu.memory_space<vmem>>
        %dma_start3A_126 = tpu.memref_squeeze %dma_start3A_125 : memref<1x128x16xf32, #tpu.memory_space<vmem>> -> memref<128x16xf32, #tpu.memory_space<vmem>>
        %dma_start3A_127 = arith.constant 0 : i32
        %dma_start3A_128 = tpu.memref_slice %arg7[%add3A_87, %dma_start3A_127] : memref<40x128xi32, #tpu.memory_space<vmem>> -> memref<1x128xi32, #tpu.memory_space<vmem>>
        %dma_start3A_129 = tpu.memref_squeeze %dma_start3A_128 : memref<1x128xi32, #tpu.memory_space<vmem>> -> memref<128xi32, #tpu.memory_space<vmem>>
        %dma_start3A_130 = arith.constant 0 : i32
        %dma_start3A_131 = arith.constant 0 : i32
        %dma_start3A_132 = tpu.memref_slice %arg9[%dma_start3A_130, %dma_start3A_131] : memref<10112x16xf32, #tpu.memory_space<vmem_shared>> -> memref<10112x16xf32, #tpu.memory_space<vmem_shared>>
        tpu.enqueue_indirect_dma source(%dma_start3A_126 : memref<128x16xf32, #tpu.memory_space<vmem>>) target(%dma_start3A_132 : memref<10112x16xf32, #tpu.memory_space<vmem_shared>>) offsets(%dma_start3A_129 : memref<128xi32, #tpu.memory_space<vmem>>) semaphore(%run_scoped3A_122 : memref<!tpu.dma_semaphore, #tpu.memory_space<semaphore_mem>>) {add = true}
        %dma_wait3A_133 = arith.constant 0 : i32
        %dma_wait3A_134 = arith.constant 0 : i32
        %dma_wait3A_135 = tpu.memref_slice %arg8[%run_scoped3A_114, %dma_wait3A_133, %dma_wait3A_134] : memref<2x128x16xf32, #tpu.memory_space<vmem>> -> memref<1x128x16xf32, #tpu.memory_space<vmem>>
        %dma_wait3A_136 = tpu.memref_squeeze %dma_wait3A_135 : memref<1x128x16xf32, #tpu.memory_space<vmem>> -> memref<128x16xf32, #tpu.memory_space<vmem>>
        %dma_wait3A_137 = arith.constant 0 : i32
        %dma_wait3A_138 = tpu.memref_slice %arg7[%add3A_87, %dma_wait3A_137] : memref<40x128xi32, #tpu.memory_space<vmem>> -> memref<1x128xi32, #tpu.memory_space<vmem>>
        %dma_wait3A_139 = tpu.memref_squeeze %dma_wait3A_138 : memref<1x128xi32, #tpu.memory_space<vmem>> -> memref<128xi32, #tpu.memory_space<vmem>>
        %dma_wait3A_140 = arith.constant 0 : i32
        %dma_wait3A_141 = arith.constant 0 : i32
        %dma_wait3A_142 = tpu.memref_slice %arg9[%dma_wait3A_140, %dma_wait3A_141] : memref<10112x16xf32, #tpu.memory_space<vmem_shared>> -> memref<10112x16xf32, #tpu.memory_space<vmem_shared>>
        tpu.wait_indirect_dma semaphore(%run_scoped3A_122 : memref<!tpu.dma_semaphore, #tpu.memory_space<semaphore_mem>>) src(%dma_wait3A_136 : memref<128x16xf32, #tpu.memory_space<vmem>>) dst(%dma_wait3A_142 : memref<10112x16xf32, #tpu.memory_space<vmem_shared>>)
        tpu.yield
      }) : () -> ()
      %add3A_115 = arith.constant 2 : i32
      %add3A_116 = arith.addi %add3A_87, %add3A_115 : i32
      %lt3A_117 = arith.constant 40 : i32
      %lt3A_118 = arith.cmpi slt, %add3A_116, %lt3A_117 : i32
      %convert_element_type3A_119 = arith.extui %lt3A_118 : i1 to i32
      %cond3A_120 = arith.constant 0 : i32
      %cond3A_121 = arith.cmpi ne, %convert_element_type3A_119, %cond3A_120 : i32
      scf.if %cond3A_121 {
        %add3A_122 = arith.constant 2 : i32
        %add3A_123 = arith.addi %add3A_87, %add3A_122 : i32
        %dma_start3A_124 = arith.constant 1 : i32
        %dma_start3A_125 = arith.constant 0 : i32
        %dma_start3A_126 = arith.constant 0 : i32
        %dma_start3A_127 = tpu.memref_slice %arg8[%dma_start3A_124, %dma_start3A_125, %dma_start3A_126] : memref<2x128x16xf32, #tpu.memory_space<vmem>> -> memref<1x128x16xf32, #tpu.memory_space<vmem>>
        %dma_start3A_128 = tpu.memref_squeeze %dma_start3A_127 : memref<1x128x16xf32, #tpu.memory_space<vmem>> -> memref<128x16xf32, #tpu.memory_space<vmem>>
        %dma_start3A_129 = arith.constant 0 : i32
        %dma_start3A_130 = tpu.memref_slice %arg6[%add3A_123, %dma_start3A_129] : memref<40x128xi32, #tpu.memory_space<vmem>> -> memref<1x128xi32, #tpu.memory_space<vmem>>
        %dma_start3A_131 = tpu.memref_squeeze %dma_start3A_130 : memref<1x128xi32, #tpu.memory_space<vmem>> -> memref<128xi32, #tpu.memory_space<vmem>>
        %dma_start3A_132 = arith.constant 0 : i32
        %dma_start3A_133 = arith.constant 0 : i32
        %dma_start3A_134 = tpu.memref_slice %arg4[%dma_start3A_132, %dma_start3A_133] : memref<10112x16xf32, #tpu.memory_space<hbm>> -> memref<10112x16xf32, #tpu.memory_space<hbm>>
        tpu.enqueue_indirect_dma source(%dma_start3A_134 : memref<10112x16xf32, #tpu.memory_space<hbm>>) target(%dma_start3A_128 : memref<128x16xf32, #tpu.memory_space<vmem>>) offsets(%dma_start3A_131 : memref<128xi32, #tpu.memory_space<vmem>>) semaphore(%arg11 : memref<!tpu.dma_semaphore, #tpu.memory_space<semaphore_mem>>)
      } else {
      }
    }
    %scan3A_51 = arith.constant 20 : i32
    "tpu.region"() ({
      %run_scoped3A_83 = tpu.sem_alloc : memref<!tpu.dma_semaphore, #tpu.memory_space<semaphore_mem>>
      %dma_start3A_84 = arith.constant 40 : i32
      %dma_start3A_85 = arith.constant 0 : i32
      %dma_start3A_86 = tpu.memref_slice %arg2[%add3A, %dma_start3A_84, %dma_start3A_85] : memref<32x80x128xi32, #tpu.memory_space<hbm>> -> memref<1x40x128xi32, #tpu.memory_space<hbm>>
      %dma_start3A_87 = tpu.memref_squeeze %dma_start3A_86 : memref<1x40x128xi32, #tpu.memory_space<hbm>> -> memref<40x128xi32, #tpu.memory_space<hbm>>
      %dma_start3A_88 = arith.constant 40 : i32
      %dma_start3A_89 = arith.constant 0 : i32
      %dma_start3A_90 = tpu.memref_slice %arg2[%add3A, %dma_start3A_88, %dma_start3A_89] : memref<32x80x128xi32, #tpu.memory_space<hbm>> -> memref<1x40x128xi32, #tpu.memory_space<hbm>>
      %dma_start3A_91 = tpu.memref_squeeze %dma_start3A_90 : memref<1x40x128xi32, #tpu.memory_space<hbm>> -> memref<40x128xi32, #tpu.memory_space<hbm>>
      tpu.enqueue_dma source(%dma_start3A_91 : memref<40x128xi32, #tpu.memory_space<hbm>>) target(%arg6 : memref<40x128xi32, #tpu.memory_space<vmem>>) target_semaphore(%run_scoped3A_83 : memref<!tpu.dma_semaphore, #tpu.memory_space<semaphore_mem>>)
      %dma_wait3A = arith.constant 40 : i32
      %dma_wait3A_92 = arith.constant 0 : i32
      %dma_wait3A_93 = tpu.memref_slice %arg2[%add3A, %dma_wait3A, %dma_wait3A_92] : memref<32x80x128xi32, #tpu.memory_space<hbm>> -> memref<1x40x128xi32, #tpu.memory_space<hbm>>
      %dma_wait3A_94 = tpu.memref_squeeze %dma_wait3A_93 : memref<1x40x128xi32, #tpu.memory_space<hbm>> -> memref<40x128xi32, #tpu.memory_space<hbm>>
      %dma_wait3A_95 = arith.constant 40 : i32
      %dma_wait3A_96 = arith.constant 0 : i32
      %dma_wait3A_97 = tpu.memref_slice %arg2[%add3A, %dma_wait3A_95, %dma_wait3A_96] : memref<32x80x128xi32, #tpu.memory_space<hbm>> -> memref<1x40x128xi32, #tpu.memory_space<hbm>>
      %dma_wait3A_98 = tpu.memref_squeeze %dma_wait3A_97 : memref<1x40x128xi32, #tpu.memory_space<hbm>> -> memref<40x128xi32, #tpu.memory_space<hbm>>
      tpu.wait_dma2 semaphore(%run_scoped3A_83 : memref<!tpu.dma_semaphore, #tpu.memory_space<semaphore_mem>>) src(%dma_wait3A_98 : memref<40x128xi32, #tpu.memory_space<hbm>>) dst(%arg6 : memref<40x128xi32, #tpu.memory_space<vmem>>)
      tpu.yield
    }) : () -> ()
    "tpu.region"() ({
      %run_scoped3A_83 = tpu.sem_alloc : memref<!tpu.dma_semaphore, #tpu.memory_space<semaphore_mem>>
      %dma_start3A_84 = arith.constant 40 : i32
      %dma_start3A_85 = arith.constant 0 : i32
      %dma_start3A_86 = tpu.memref_slice %arg3[%add3A, %dma_start3A_84, %dma_start3A_85] : memref<32x80x128xi32, #tpu.memory_space<hbm>> -> memref<1x40x128xi32, #tpu.memory_space<hbm>>
      %dma_start3A_87 = tpu.memref_squeeze %dma_start3A_86 : memref<1x40x128xi32, #tpu.memory_space<hbm>> -> memref<40x128xi32, #tpu.memory_space<hbm>>
      %dma_start3A_88 = arith.constant 40 : i32
      %dma_start3A_89 = arith.constant 0 : i32
      %dma_start3A_90 = tpu.memref_slice %arg3[%add3A, %dma_start3A_88, %dma_start3A_89] : memref<32x80x128xi32, #tpu.memory_space<hbm>> -> memref<1x40x128xi32, #tpu.memory_space<hbm>>
      %dma_start3A_91 = tpu.memref_squeeze %dma_start3A_90 : memref<1x40x128xi32, #tpu.memory_space<hbm>> -> memref<40x128xi32, #tpu.memory_space<hbm>>
      tpu.enqueue_dma source(%dma_start3A_91 : memref<40x128xi32, #tpu.memory_space<hbm>>) target(%arg7 : memref<40x128xi32, #tpu.memory_space<vmem>>) target_semaphore(%run_scoped3A_83 : memref<!tpu.dma_semaphore, #tpu.memory_space<semaphore_mem>>)
      %dma_wait3A = arith.constant 40 : i32
      %dma_wait3A_92 = arith.constant 0 : i32
      %dma_wait3A_93 = tpu.memref_slice %arg3[%add3A, %dma_wait3A, %dma_wait3A_92] : memref<32x80x128xi32, #tpu.memory_space<hbm>> -> memref<1x40x128xi32, #tpu.memory_space<hbm>>
      %dma_wait3A_94 = tpu.memref_squeeze %dma_wait3A_93 : memref<1x40x128xi32, #tpu.memory_space<hbm>> -> memref<40x128xi32, #tpu.memory_space<hbm>>
      %dma_wait3A_95 = arith.constant 40 : i32
      %dma_wait3A_96 = arith.constant 0 : i32
      %dma_wait3A_97 = tpu.memref_slice %arg3[%add3A, %dma_wait3A_95, %dma_wait3A_96] : memref<32x80x128xi32, #tpu.memory_space<hbm>> -> memref<1x40x128xi32, #tpu.memory_space<hbm>>
      %dma_wait3A_98 = tpu.memref_squeeze %dma_wait3A_97 : memref<1x40x128xi32, #tpu.memory_space<hbm>> -> memref<40x128xi32, #tpu.memory_space<hbm>>
      tpu.wait_dma2 semaphore(%run_scoped3A_83 : memref<!tpu.dma_semaphore, #tpu.memory_space<semaphore_mem>>) src(%dma_wait3A_98 : memref<40x128xi32, #tpu.memory_space<hbm>>) dst(%arg7 : memref<40x128xi32, #tpu.memory_space<vmem>>)
      tpu.yield
    }) : () -> ()
    %dma_start3A_52 = arith.constant 0 : i32
    %dma_start3A_53 = arith.constant 0 : i32
    %dma_start3A_54 = arith.constant 0 : i32
    %dma_start3A_55 = arith.constant 0 : i32
    %dma_start3A_56 = tpu.memref_slice %arg8[%dma_start3A_53, %dma_start3A_54, %dma_start3A_55] : memref<2x128x16xf32, #tpu.memory_space<vmem>> -> memref<1x128x16xf32, #tpu.memory_space<vmem>>
    %dma_start3A_57 = tpu.memref_squeeze %dma_start3A_56 : memref<1x128x16xf32, #tpu.memory_space<vmem>> -> memref<128x16xf32, #tpu.memory_space<vmem>>
    %dma_start3A_58 = arith.constant 0 : i32
    %dma_start3A_59 = tpu.memref_slice %arg6[%dma_start3A_52, %dma_start3A_58] : memref<40x128xi32, #tpu.memory_space<vmem>> -> memref<1x128xi32, #tpu.memory_space<vmem>>
    %dma_start3A_60 = tpu.memref_squeeze %dma_start3A_59 : memref<1x128xi32, #tpu.memory_space<vmem>> -> memref<128xi32, #tpu.memory_space<vmem>>
    %dma_start3A_61 = arith.constant 0 : i32
    %dma_start3A_62 = arith.constant 0 : i32
    %dma_start3A_63 = tpu.memref_slice %arg4[%dma_start3A_61, %dma_start3A_62] : memref<10112x16xf32, #tpu.memory_space<hbm>> -> memref<10112x16xf32, #tpu.memory_space<hbm>>
    tpu.enqueue_indirect_dma source(%dma_start3A_63 : memref<10112x16xf32, #tpu.memory_space<hbm>>) target(%dma_start3A_57 : memref<128x16xf32, #tpu.memory_space<vmem>>) offsets(%dma_start3A_60 : memref<128xi32, #tpu.memory_space<vmem>>) semaphore(%arg10 : memref<!tpu.dma_semaphore, #tpu.memory_space<semaphore_mem>>)
    %dma_start3A_64 = arith.constant 1 : i32
    %dma_start3A_65 = arith.constant 1 : i32
    %dma_start3A_66 = arith.constant 0 : i32
    %dma_start3A_67 = arith.constant 0 : i32
    %dma_start3A_68 = tpu.memref_slice %arg8[%dma_start3A_65, %dma_start3A_66, %dma_start3A_67] : memref<2x128x16xf32, #tpu.memory_space<vmem>> -> memref<1x128x16xf32, #tpu.memory_space<vmem>>
    %dma_start3A_69 = tpu.memref_squeeze %dma_start3A_68 : memref<1x128x16xf32, #tpu.memory_space<vmem>> -> memref<128x16xf32, #tpu.memory_space<vmem>>
    %dma_start3A_70 = arith.constant 0 : i32
    %dma_start3A_71 = tpu.memref_slice %arg6[%dma_start3A_64, %dma_start3A_70] : memref<40x128xi32, #tpu.memory_space<vmem>> -> memref<1x128xi32, #tpu.memory_space<vmem>>
    %dma_start3A_72 = tpu.memref_squeeze %dma_start3A_71 : memref<1x128xi32, #tpu.memory_space<vmem>> -> memref<128xi32, #tpu.memory_space<vmem>>
    %dma_start3A_73 = arith.constant 0 : i32
    %dma_start3A_74 = arith.constant 0 : i32
    %dma_start3A_75 = tpu.memref_slice %arg4[%dma_start3A_73, %dma_start3A_74] : memref<10112x16xf32, #tpu.memory_space<hbm>> -> memref<10112x16xf32, #tpu.memory_space<hbm>>
    tpu.enqueue_indirect_dma source(%dma_start3A_75 : memref<10112x16xf32, #tpu.memory_space<hbm>>) target(%dma_start3A_69 : memref<128x16xf32, #tpu.memory_space<vmem>>) offsets(%dma_start3A_72 : memref<128xi32, #tpu.memory_space<vmem>>) semaphore(%arg11 : memref<!tpu.dma_semaphore, #tpu.memory_space<semaphore_mem>>)
    %scan3A_76 = arith.constant 0 : i32
    %scan3A_77 = arith.constant 0 : i32
    %scan3A_78 = arith.constant 20 : i32
    %scan3A_79 = arith.addi %scan3A_77, %scan3A_78 : i32
    %scan3A_80 = arith.constant 1 : i32
    scf.for %scan3A_83 = %scan3A_77 to %scan3A_79 step %scan3A_80  : i32 {
      %mul3A_84 = arith.constant 2 : i32
      %mul3A_85 = arith.muli %mul3A_84, %scan3A_83 : i32
      %add3A_86 = arith.constant 1 : i32
      %add3A_87 = arith.addi %mul3A_85, %add3A_86 : i32
      %dma_wait3A = arith.constant 0 : i32
      %dma_wait3A_88 = arith.constant 0 : i32
      %dma_wait3A_89 = arith.constant 0 : i32
      %dma_wait3A_90 = tpu.memref_slice %arg8[%dma_wait3A, %dma_wait3A_88, %dma_wait3A_89] : memref<2x128x16xf32, #tpu.memory_space<vmem>> -> memref<1x128x16xf32, #tpu.memory_space<vmem>>
      %dma_wait3A_91 = tpu.memref_squeeze %dma_wait3A_90 : memref<1x128x16xf32, #tpu.memory_space<vmem>> -> memref<128x16xf32, #tpu.memory_space<vmem>>
      %dma_wait3A_92 = arith.constant 0 : i32
      %dma_wait3A_93 = tpu.memref_slice %arg6[%mul3A_85, %dma_wait3A_92] : memref<40x128xi32, #tpu.memory_space<vmem>> -> memref<1x128xi32, #tpu.memory_space<vmem>>
      %dma_wait3A_94 = tpu.memref_squeeze %dma_wait3A_93 : memref<1x128xi32, #tpu.memory_space<vmem>> -> memref<128xi32, #tpu.memory_space<vmem>>
      %dma_wait3A_95 = arith.constant 0 : i32
      %dma_wait3A_96 = arith.constant 0 : i32
      %dma_wait3A_97 = tpu.memref_slice %arg4[%dma_wait3A_95, %dma_wait3A_96] : memref<10112x16xf32, #tpu.memory_space<hbm>> -> memref<10112x16xf32, #tpu.memory_space<hbm>>
      tpu.wait_indirect_dma semaphore(%arg10 : memref<!tpu.dma_semaphore, #tpu.memory_space<semaphore_mem>>) src(%dma_wait3A_97 : memref<10112x16xf32, #tpu.memory_space<hbm>>) dst(%dma_wait3A_91 : memref<128x16xf32, #tpu.memory_space<vmem>>)
      %run_scoped3A_98 = arith.constant 0 : i32
      "tpu.region"() ({
        %run_scoped3A_122 = tpu.sem_alloc : memref<!tpu.dma_semaphore, #tpu.memory_space<semaphore_mem>>
        %dma_start3A_123 = arith.constant 0 : i32
        %dma_start3A_124 = arith.constant 0 : i32
        %dma_start3A_125 = tpu.memref_slice %arg8[%run_scoped3A_98, %dma_start3A_123, %dma_start3A_124] : memref<2x128x16xf32, #tpu.memory_space<vmem>> -> memref<1x128x16xf32, #tpu.memory_space<vmem>>
        %dma_start3A_126 = tpu.memref_squeeze %dma_start3A_125 : memref<1x128x16xf32, #tpu.memory_space<vmem>> -> memref<128x16xf32, #tpu.memory_space<vmem>>
        %dma_start3A_127 = arith.constant 0 : i32
        %dma_start3A_128 = tpu.memref_slice %arg7[%mul3A_85, %dma_start3A_127] : memref<40x128xi32, #tpu.memory_space<vmem>> -> memref<1x128xi32, #tpu.memory_space<vmem>>
        %dma_start3A_129 = tpu.memref_squeeze %dma_start3A_128 : memref<1x128xi32, #tpu.memory_space<vmem>> -> memref<128xi32, #tpu.memory_space<vmem>>
        %dma_start3A_130 = arith.constant 0 : i32
        %dma_start3A_131 = arith.constant 0 : i32
        %dma_start3A_132 = tpu.memref_slice %arg9[%dma_start3A_130, %dma_start3A_131] : memref<10112x16xf32, #tpu.memory_space<vmem_shared>> -> memref<10112x16xf32, #tpu.memory_space<vmem_shared>>
        tpu.enqueue_indirect_dma source(%dma_start3A_126 : memref<128x16xf32, #tpu.memory_space<vmem>>) target(%dma_start3A_132 : memref<10112x16xf32, #tpu.memory_space<vmem_shared>>) offsets(%dma_start3A_129 : memref<128xi32, #tpu.memory_space<vmem>>) semaphore(%run_scoped3A_122 : memref<!tpu.dma_semaphore, #tpu.memory_space<semaphore_mem>>) {add = true}
        %dma_wait3A_133 = arith.constant 0 : i32
        %dma_wait3A_134 = arith.constant 0 : i32
        %dma_wait3A_135 = tpu.memref_slice %arg8[%run_scoped3A_98, %dma_wait3A_133, %dma_wait3A_134] : memref<2x128x16xf32, #tpu.memory_space<vmem>> -> memref<1x128x16xf32, #tpu.memory_space<vmem>>
        %dma_wait3A_136 = tpu.memref_squeeze %dma_wait3A_135 : memref<1x128x16xf32, #tpu.memory_space<vmem>> -> memref<128x16xf32, #tpu.memory_space<vmem>>
        %dma_wait3A_137 = arith.constant 0 : i32
        %dma_wait3A_138 = tpu.memref_slice %arg7[%mul3A_85, %dma_wait3A_137] : memref<40x128xi32, #tpu.memory_space<vmem>> -> memref<1x128xi32, #tpu.memory_space<vmem>>
        %dma_wait3A_139 = tpu.memref_squeeze %dma_wait3A_138 : memref<1x128xi32, #tpu.memory_space<vmem>> -> memref<128xi32, #tpu.memory_space<vmem>>
        %dma_wait3A_140 = arith.constant 0 : i32
        %dma_wait3A_141 = arith.constant 0 : i32
        %dma_wait3A_142 = tpu.memref_slice %arg9[%dma_wait3A_140, %dma_wait3A_141] : memref<10112x16xf32, #tpu.memory_space<vmem_shared>> -> memref<10112x16xf32, #tpu.memory_space<vmem_shared>>
        tpu.wait_indirect_dma semaphore(%run_scoped3A_122 : memref<!tpu.dma_semaphore, #tpu.memory_space<semaphore_mem>>) src(%dma_wait3A_136 : memref<128x16xf32, #tpu.memory_space<vmem>>) dst(%dma_wait3A_142 : memref<10112x16xf32, #tpu.memory_space<vmem_shared>>)
        tpu.yield
      }) : () -> ()
      %add3A_99 = arith.constant 2 : i32
      %add3A_100 = arith.addi %mul3A_85, %add3A_99 : i32
      %lt3A = arith.constant 40 : i32
      %lt3A_101 = arith.cmpi slt, %add3A_100, %lt3A : i32
      %convert_element_type3A = arith.extui %lt3A_101 : i1 to i32
      %cond3A = arith.constant 0 : i32
      %cond3A_102 = arith.cmpi ne, %convert_element_type3A, %cond3A : i32
      scf.if %cond3A_102 {
        %add3A_122 = arith.constant 2 : i32
        %add3A_123 = arith.addi %mul3A_85, %add3A_122 : i32
        %dma_start3A_124 = arith.constant 0 : i32
        %dma_start3A_125 = arith.constant 0 : i32
        %dma_start3A_126 = arith.constant 0 : i32
        %dma_start3A_127 = tpu.memref_slice %arg8[%dma_start3A_124, %dma_start3A_125, %dma_start3A_126] : memref<2x128x16xf32, #tpu.memory_space<vmem>> -> memref<1x128x16xf32, #tpu.memory_space<vmem>>
        %dma_start3A_128 = tpu.memref_squeeze %dma_start3A_127 : memref<1x128x16xf32, #tpu.memory_space<vmem>> -> memref<128x16xf32, #tpu.memory_space<vmem>>
        %dma_start3A_129 = arith.constant 0 : i32
        %dma_start3A_130 = tpu.memref_slice %arg6[%add3A_123, %dma_start3A_129] : memref<40x128xi32, #tpu.memory_space<vmem>> -> memref<1x128xi32, #tpu.memory_space<vmem>>
        %dma_start3A_131 = tpu.memref_squeeze %dma_start3A_130 : memref<1x128xi32, #tpu.memory_space<vmem>> -> memref<128xi32, #tpu.memory_space<vmem>>
        %dma_start3A_132 = arith.constant 0 : i32
        %dma_start3A_133 = arith.constant 0 : i32
        %dma_start3A_134 = tpu.memref_slice %arg4[%dma_start3A_132, %dma_start3A_133] : memref<10112x16xf32, #tpu.memory_space<hbm>> -> memref<10112x16xf32, #tpu.memory_space<hbm>>
        tpu.enqueue_indirect_dma source(%dma_start3A_134 : memref<10112x16xf32, #tpu.memory_space<hbm>>) target(%dma_start3A_128 : memref<128x16xf32, #tpu.memory_space<vmem>>) offsets(%dma_start3A_131 : memref<128xi32, #tpu.memory_space<vmem>>) semaphore(%arg10 : memref<!tpu.dma_semaphore, #tpu.memory_space<semaphore_mem>>)
      } else {
      }
      %dma_wait3A_103 = arith.constant 1 : i32
      %dma_wait3A_104 = arith.constant 0 : i32
      %dma_wait3A_105 = arith.constant 0 : i32
      %dma_wait3A_106 = tpu.memref_slice %arg8[%dma_wait3A_103, %dma_wait3A_104, %dma_wait3A_105] : memref<2x128x16xf32, #tpu.memory_space<vmem>> -> memref<1x128x16xf32, #tpu.memory_space<vmem>>
      %dma_wait3A_107 = tpu.memref_squeeze %dma_wait3A_106 : memref<1x128x16xf32, #tpu.memory_space<vmem>> -> memref<128x16xf32, #tpu.memory_space<vmem>>
      %dma_wait3A_108 = arith.constant 0 : i32
      %dma_wait3A_109 = tpu.memref_slice %arg6[%add3A_87, %dma_wait3A_108] : memref<40x128xi32, #tpu.memory_space<vmem>> -> memref<1x128xi32, #tpu.memory_space<vmem>>
      %dma_wait3A_110 = tpu.memref_squeeze %dma_wait3A_109 : memref<1x128xi32, #tpu.memory_space<vmem>> -> memref<128xi32, #tpu.memory_space<vmem>>
      %dma_wait3A_111 = arith.constant 0 : i32
      %dma_wait3A_112 = arith.constant 0 : i32
      %dma_wait3A_113 = tpu.memref_slice %arg4[%dma_wait3A_111, %dma_wait3A_112] : memref<10112x16xf32, #tpu.memory_space<hbm>> -> memref<10112x16xf32, #tpu.memory_space<hbm>>
      tpu.wait_indirect_dma semaphore(%arg11 : memref<!tpu.dma_semaphore, #tpu.memory_space<semaphore_mem>>) src(%dma_wait3A_113 : memref<10112x16xf32, #tpu.memory_space<hbm>>) dst(%dma_wait3A_107 : memref<128x16xf32, #tpu.memory_space<vmem>>)
      %run_scoped3A_114 = arith.constant 1 : i32
      "tpu.region"() ({
        %run_scoped3A_122 = tpu.sem_alloc : memref<!tpu.dma_semaphore, #tpu.memory_space<semaphore_mem>>
        %dma_start3A_123 = arith.constant 0 : i32
        %dma_start3A_124 = arith.constant 0 : i32
        %dma_start3A_125 = tpu.memref_slice %arg8[%run_scoped3A_114, %dma_start3A_123, %dma_start3A_124] : memref<2x128x16xf32, #tpu.memory_space<vmem>> -> memref<1x128x16xf32, #tpu.memory_space<vmem>>
        %dma_start3A_126 = tpu.memref_squeeze %dma_start3A_125 : memref<1x128x16xf32, #tpu.memory_space<vmem>> -> memref<128x16xf32, #tpu.memory_space<vmem>>
        %dma_start3A_127 = arith.constant 0 : i32
        %dma_start3A_128 = tpu.memref_slice %arg7[%add3A_87, %dma_start3A_127] : memref<40x128xi32, #tpu.memory_space<vmem>> -> memref<1x128xi32, #tpu.memory_space<vmem>>
        %dma_start3A_129 = tpu.memref_squeeze %dma_start3A_128 : memref<1x128xi32, #tpu.memory_space<vmem>> -> memref<128xi32, #tpu.memory_space<vmem>>
        %dma_start3A_130 = arith.constant 0 : i32
        %dma_start3A_131 = arith.constant 0 : i32
        %dma_start3A_132 = tpu.memref_slice %arg9[%dma_start3A_130, %dma_start3A_131] : memref<10112x16xf32, #tpu.memory_space<vmem_shared>> -> memref<10112x16xf32, #tpu.memory_space<vmem_shared>>
        tpu.enqueue_indirect_dma source(%dma_start3A_126 : memref<128x16xf32, #tpu.memory_space<vmem>>) target(%dma_start3A_132 : memref<10112x16xf32, #tpu.memory_space<vmem_shared>>) offsets(%dma_start3A_129 : memref<128xi32, #tpu.memory_space<vmem>>) semaphore(%run_scoped3A_122 : memref<!tpu.dma_semaphore, #tpu.memory_space<semaphore_mem>>) {add = true}
        %dma_wait3A_133 = arith.constant 0 : i32
        %dma_wait3A_134 = arith.constant 0 : i32
        %dma_wait3A_135 = tpu.memref_slice %arg8[%run_scoped3A_114, %dma_wait3A_133, %dma_wait3A_134] : memref<2x128x16xf32, #tpu.memory_space<vmem>> -> memref<1x128x16xf32, #tpu.memory_space<vmem>>
        %dma_wait3A_136 = tpu.memref_squeeze %dma_wait3A_135 : memref<1x128x16xf32, #tpu.memory_space<vmem>> -> memref<128x16xf32, #tpu.memory_space<vmem>>
        %dma_wait3A_137 = arith.constant 0 : i32
        %dma_wait3A_138 = tpu.memref_slice %arg7[%add3A_87, %dma_wait3A_137] : memref<40x128xi32, #tpu.memory_space<vmem>> -> memref<1x128xi32, #tpu.memory_space<vmem>>
        %dma_wait3A_139 = tpu.memref_squeeze %dma_wait3A_138 : memref<1x128xi32, #tpu.memory_space<vmem>> -> memref<128xi32, #tpu.memory_space<vmem>>
        %dma_wait3A_140 = arith.constant 0 : i32
        %dma_wait3A_141 = arith.constant 0 : i32
        %dma_wait3A_142 = tpu.memref_slice %arg9[%dma_wait3A_140, %dma_wait3A_141] : memref<10112x16xf32, #tpu.memory_space<vmem_shared>> -> memref<10112x16xf32, #tpu.memory_space<vmem_shared>>
        tpu.wait_indirect_dma semaphore(%run_scoped3A_122 : memref<!tpu.dma_semaphore, #tpu.memory_space<semaphore_mem>>) src(%dma_wait3A_136 : memref<128x16xf32, #tpu.memory_space<vmem>>) dst(%dma_wait3A_142 : memref<10112x16xf32, #tpu.memory_space<vmem_shared>>)
        tpu.yield
      }) : () -> ()
      %add3A_115 = arith.constant 2 : i32
      %add3A_116 = arith.addi %add3A_87, %add3A_115 : i32
      %lt3A_117 = arith.constant 40 : i32
      %lt3A_118 = arith.cmpi slt, %add3A_116, %lt3A_117 : i32
      %convert_element_type3A_119 = arith.extui %lt3A_118 : i1 to i32
      %cond3A_120 = arith.constant 0 : i32
      %cond3A_121 = arith.cmpi ne, %convert_element_type3A_119, %cond3A_120 : i32
      scf.if %cond3A_121 {
        %add3A_122 = arith.constant 2 : i32
        %add3A_123 = arith.addi %add3A_87, %add3A_122 : i32
        %dma_start3A_124 = arith.constant 1 : i32
        %dma_start3A_125 = arith.constant 0 : i32
        %dma_start3A_126 = arith.constant 0 : i32
        %dma_start3A_127 = tpu.memref_slice %arg8[%dma_start3A_124, %dma_start3A_125, %dma_start3A_126] : memref<2x128x16xf32, #tpu.memory_space<vmem>> -> memref<1x128x16xf32, #tpu.memory_space<vmem>>
        %dma_start3A_128 = tpu.memref_squeeze %dma_start3A_127 : memref<1x128x16xf32, #tpu.memory_space<vmem>> -> memref<128x16xf32, #tpu.memory_space<vmem>>
        %dma_start3A_129 = arith.constant 0 : i32
        %dma_start3A_130 = tpu.memref_slice %arg6[%add3A_123, %dma_start3A_129] : memref<40x128xi32, #tpu.memory_space<vmem>> -> memref<1x128xi32, #tpu.memory_space<vmem>>
        %dma_start3A_131 = tpu.memref_squeeze %dma_start3A_130 : memref<1x128xi32, #tpu.memory_space<vmem>> -> memref<128xi32, #tpu.memory_space<vmem>>
        %dma_start3A_132 = arith.constant 0 : i32
        %dma_start3A_133 = arith.constant 0 : i32
        %dma_start3A_134 = tpu.memref_slice %arg4[%dma_start3A_132, %dma_start3A_133] : memref<10112x16xf32, #tpu.memory_space<hbm>> -> memref<10112x16xf32, #tpu.memory_space<hbm>>
        tpu.enqueue_indirect_dma source(%dma_start3A_134 : memref<10112x16xf32, #tpu.memory_space<hbm>>) target(%dma_start3A_128 : memref<128x16xf32, #tpu.memory_space<vmem>>) offsets(%dma_start3A_131 : memref<128xi32, #tpu.memory_space<vmem>>) semaphore(%arg11 : memref<!tpu.dma_semaphore, #tpu.memory_space<semaphore_mem>>)
      } else {
      }
    }
    %scan3A_81 = arith.constant 20 : i32
    %barrier3A_82 = arith.constant 0 : index
    tpu.barrier barrier_id(%barrier3A_82)
    "tpu.region"() ({
      %run_scoped3A_83 = tpu.sem_alloc : memref<!tpu.dma_semaphore, #tpu.memory_space<semaphore_mem>>
      %dma_start3A_84 = arith.constant 0 : i32
      %dma_start3A_85 = tpu.memref_slice %arg5[%arg0, %mul3A_8, %dma_start3A_84] : memref<2x10112x16xf32, #tpu.memory_space<hbm>> -> memref<1x632x16xf32, #tpu.memory_space<hbm>>
      %dma_start3A_86 = tpu.memref_squeeze %dma_start3A_85 : memref<1x632x16xf32, #tpu.memory_space<hbm>> -> memref<632x16xf32, #tpu.memory_space<hbm>>
      %dma_start3A_87 = arith.constant 0 : i32
      %dma_start3A_88 = tpu.memref_slice %arg9[%mul3A_8, %dma_start3A_87] : memref<10112x16xf32, #tpu.memory_space<vmem_shared>> -> memref<632x16xf32, #tpu.memory_space<vmem_shared>>
      tpu.enqueue_dma source(%dma_start3A_88 : memref<632x16xf32, #tpu.memory_space<vmem_shared>>) target(%dma_start3A_86 : memref<632x16xf32, #tpu.memory_space<hbm>>) target_semaphore(%run_scoped3A_83 : memref<!tpu.dma_semaphore, #tpu.memory_space<semaphore_mem>>)
      %dma_wait3A = arith.constant 0 : i32
      %dma_wait3A_89 = tpu.memref_slice %arg5[%arg0, %mul3A_8, %dma_wait3A] : memref<2x10112x16xf32, #tpu.memory_space<hbm>> -> memref<1x632x16xf32, #tpu.memory_space<hbm>>
      %dma_wait3A_90 = tpu.memref_squeeze %dma_wait3A_89 : memref<1x632x16xf32, #tpu.memory_space<hbm>> -> memref<632x16xf32, #tpu.memory_space<hbm>>
      %dma_wait3A_91 = arith.constant 0 : i32
      %dma_wait3A_92 = tpu.memref_slice %arg9[%mul3A_8, %dma_wait3A_91] : memref<10112x16xf32, #tpu.memory_space<vmem_shared>> -> memref<632x16xf32, #tpu.memory_space<vmem_shared>>
      tpu.wait_dma2 semaphore(%run_scoped3A_83 : memref<!tpu.dma_semaphore, #tpu.memory_space<semaphore_mem>>) src(%dma_wait3A_92 : memref<632x16xf32, #tpu.memory_space<vmem_shared>>) dst(%dma_wait3A_90 : memref<632x16xf32, #tpu.memory_space<hbm>>)
      tpu.yield
    }) : () -> ()
    return
  }
}

module attributes {stable_mosaic.version = 14 : i64} {
  func.func @_dense_body(%arg0: i32, %arg1: memref<2x2528x128xf32, #tpu.memory_space<vmem>>, %arg2: memref<128x128xf32, #tpu.memory_space<vmem>>, %arg3: memref<1x128xf32, #tpu.memory_space<vmem>>, %arg4: memref<128x16xf32, #tpu.memory_space<vmem>>, %arg5: memref<2528x16xf32, #tpu.memory_space<vmem>>) attributes {dimension_semantics = [#tpu.dimension_semantics<arbitrary>], iteration_bounds = array<i64: 4>, scalar_prefetch = 0 : i64, scratch_operands = 0 : i64, tpu.core_type = #tpu.core_type<tc>, window_params = [{transform_indices = @transform_0, window_bounds = array<i64: 2, 2528, 128>}, {pipeline_mode = #tpu.pipeline_mode<synchronous>, transform_indices = @transform_1, window_bounds = array<i64: 128, 128>}, {pipeline_mode = #tpu.pipeline_mode<synchronous>, transform_indices = @transform_2, window_bounds = array<i64: 1, 128>}, {pipeline_mode = #tpu.pipeline_mode<synchronous>, transform_indices = @transform_3, window_bounds = array<i64: 128, 16>}, {transform_indices = @transform_4, window_bounds = array<i64: 2528, 16>}]} {
    %get3A = arith.constant 0 : index
    %get3A_0 = arith.constant 0 : index
    %get3A_1 = arith.constant 0 : index
    %get3A_2 = vector.load %arg1[%get3A, %get3A_0, %get3A_1] : memref<2x2528x128xf32, #tpu.memory_space<vmem>>, vector<1x2528x128xf32>
    %get3A_3 = vector.shape_cast %get3A_2 : vector<1x2528x128xf32> to vector<2528x128xf32>
    %get3A_4 = arith.constant 1 : index
    %get3A_5 = arith.constant 0 : index
    %get3A_6 = arith.constant 0 : index
    %get3A_7 = vector.load %arg1[%get3A_4, %get3A_5, %get3A_6] : memref<2x2528x128xf32, #tpu.memory_space<vmem>>, vector<1x2528x128xf32>
    %get3A_8 = vector.shape_cast %get3A_7 : vector<1x2528x128xf32> to vector<2528x128xf32>
    %add3A = arith.addf %get3A_3, %get3A_8 : vector<2528x128xf32>
    %get3A_9 = arith.constant 0 : index
    %get3A_10 = arith.constant 0 : index
    %get3A_11 = vector.load %arg2[%get3A_9, %get3A_10] : memref<128x128xf32, #tpu.memory_space<vmem>>, vector<128x128xf32>
    %dot_general3A = arith.constant dense<0.000000e+00> : vector<2528x128xf32>
    %dot_general3A_12 = tpu.matmul %add3A, %get3A_11, %dot_general3A {dimension_numbers = #tpu.dot_dimension_numbers<[1], [0], [0], [1], [0, 0, 1, 1], [], []>, transpose_lhs_hint = false} : vector<2528x128xf32>, vector<128x128xf32>, vector<2528x128xf32> -> vector<2528x128xf32>
    %get3A_13 = arith.constant 0 : index
    %get3A_14 = arith.constant 0 : index
    %get3A_15 = vector.load %arg3[%get3A_13, %get3A_14] : memref<1x128xf32, #tpu.memory_space<vmem>>, vector<1x128xf32>
    %add3A_16 = vector.broadcast %get3A_15 : vector<1x128xf32> to vector<2528x128xf32>
    %add3A_17 = arith.addf %dot_general3A_12, %add3A_16 : vector<2528x128xf32>
    %max3A = arith.constant 0.000000e+00 : f32
    %max3A_18 = vector.broadcast %max3A : f32 to vector<2528x128xf32>
    %max3A_19 = arith.maximumf %add3A_17, %max3A_18 : vector<2528x128xf32>
    %get3A_20 = arith.constant 0 : index
    %get3A_21 = arith.constant 0 : index
    %get3A_22 = vector.load %arg4[%get3A_20, %get3A_21] : memref<128x16xf32, #tpu.memory_space<vmem>>, vector<128x16xf32>
    %dot_general3A_23 = arith.constant dense<0.000000e+00> : vector<2528x16xf32>
    %dot_general3A_24 = tpu.matmul %max3A_19, %get3A_22, %dot_general3A_23 {dimension_numbers = #tpu.dot_dimension_numbers<[1], [0], [0], [1], [0, 0, 1, 1], [], []>, transpose_lhs_hint = false} : vector<2528x128xf32>, vector<128x16xf32>, vector<2528x16xf32> -> vector<2528x16xf32>
    %swap3A = arith.constant 0 : index
    %swap3A_25 = arith.constant 0 : index
    %swap3A_26 = vector.load %arg5[%swap3A, %swap3A_25] : memref<2528x16xf32, #tpu.memory_space<vmem>>, vector<2528x16xf32>
    tpu.vector_store %arg5[%swap3A, %swap3A_25], %dot_general3A_24 {strides = array<i32>} : memref<2528x16xf32, #tpu.memory_space<vmem>>, vector<2528x16xf32>,
    return
  }
  func.func @transform_0(%arg0: i32) -> (i32, i32, i32) {
    %c0_i32 = arith.constant 0 : i32
    %c0_i32_0 = arith.constant 0 : i32
    %c0_i32_1 = arith.constant 0 : i32
    return %c0_i32, %arg0, %c0_i32_0 : i32, i32, i32
  }
  func.func @transform_1(%arg0: i32) -> (i32, i32) {
    %c0_i32 = arith.constant 0 : i32
    %c0_i32_0 = arith.constant 0 : i32
    %c0_i32_1 = arith.constant 0 : i32
    return %c0_i32, %c0_i32_0 : i32, i32
  }
  func.func @transform_2(%arg0: i32) -> (i32, i32) {
    %c0_i32 = arith.constant 0 : i32
    %c0_i32_0 = arith.constant 0 : i32
    %c0_i32_1 = arith.constant 0 : i32
    return %c0_i32, %c0_i32_0 : i32, i32
  }
  func.func @transform_3(%arg0: i32) -> (i32, i32) {
    %c0_i32 = arith.constant 0 : i32
    %c0_i32_0 = arith.constant 0 : i32
    %c0_i32_1 = arith.constant 0 : i32
    return %c0_i32, %c0_i32_0 : i32, i32
  }
  func.func @transform_4(%arg0: i32) -> (i32, i32) {
    %c0_i32 = arith.constant 0 : i32
    %c0_i32_0 = arith.constant 0 : i32
    return %arg0, %c0_i32 : i32, i32
  }
}

module attributes {stable_mosaic.version = 14 : i64} {
  func.func @_final_body(%arg0: memref<2x10112x16xf32, #tpu.memory_space<vmem>>, %arg1: memref<1x16xf32, #tpu.memory_space<vmem>>, %arg2: memref<10000x16xf32, #tpu.memory_space<vmem>>) attributes {dimension_semantics = [], scalar_prefetch = 0 : i64, scratch_operands = 0 : i64, tpu.core_type = #tpu.core_type<tc>} {
    %get3A = arith.constant 0 : index
    %get3A_0 = arith.constant 0 : index
    %get3A_1 = arith.constant 0 : index
    %get3A_2 = vector.load %arg0[%get3A, %get3A_0, %get3A_1] : memref<2x10112x16xf32, #tpu.memory_space<vmem>>, vector<1x10000x16xf32>
    %get3A_3 = vector.shape_cast %get3A_2 : vector<1x10000x16xf32> to vector<10000x16xf32>
    %get3A_4 = arith.constant 1 : index
    %get3A_5 = arith.constant 0 : index
    %get3A_6 = arith.constant 0 : index
    %get3A_7 = vector.load %arg0[%get3A_4, %get3A_5, %get3A_6] : memref<2x10112x16xf32, #tpu.memory_space<vmem>>, vector<1x10000x16xf32>
    %get3A_8 = vector.shape_cast %get3A_7 : vector<1x10000x16xf32> to vector<10000x16xf32>
    %add3A = arith.addf %get3A_3, %get3A_8 : vector<10000x16xf32>
    %get3A_9 = arith.constant 0 : index
    %get3A_10 = arith.constant 0 : index
    %get3A_11 = vector.load %arg1[%get3A_9, %get3A_10] : memref<1x16xf32, #tpu.memory_space<vmem>>, vector<1x16xf32>
    %add3A_12 = vector.broadcast %get3A_11 : vector<1x16xf32> to vector<10000x16xf32>
    %add3A_13 = arith.addf %add3A, %add3A_12 : vector<10000x16xf32>
    %swap3A = arith.constant 0 : index
    %swap3A_14 = arith.constant 0 : index
    %swap3A_15 = vector.load %arg2[%swap3A, %swap3A_14] : memref<10000x16xf32, #tpu.memory_space<vmem>>, vector<10000x16xf32>
    tpu.vector_store %arg2[%swap3A, %swap3A_14], %add3A_13 {strides = array<i32>} : memref<10000x16xf32, #tpu.memory_space<vmem>>, vector<10000x16xf32>,
    return
  }
}

</mosaic_0001>

<sc_bundles>
// kernel: kernel.6.cloned.1.call-start
scs
__scs_entry_jumppad:
0x0: {  	(pc) =	sbr.rel $0x88, $3  }
0x1: {  	(tag) =	ssettag $0x0;
	lr =	simm.s32 $0x1  }
0x2: {  	[smem:$0x3F9B] =	sst lr;
	_ =	strace $0xD0000000  }
0x3: {  	_ = 	snop  }
0x4: {  	_ = 	snop  }
0x5: {  	_ = 	snop  }
0x6: {  	_ = 	snop  }
0x7: {  	_ = 	snop  }
__scs_overlays_trampoline_lowered:
0x8: {  	[smem:$0x3FAA] =	sst s0  }
0x9: {  	[smem:$0x3FAB] =	sst s1  }
0xa: {  	[smem:$0x3FAC] =	sst s2  }
0xb: {  	[smem:$0x3FAD] =	sst s3  }
0xc: {  	[smem:$0x3FAE] =	sst s4  }
0xd: {  	[smem:$0x3FAF] =	sst s5  }
0xe: {  	[smem:$0x3FB0] =	sst s6  }
0xf: {  	[smem:$0x3FB1] =	sst s7  }
0x10: {  	[smem:$0x3FB2] =	sst s8  }
0x11: {  	[smem:$0x3FB3] =	sst s9;
	s0 =	simm.s32 @!p0 $0x0  }
0x12: {  	s1 =	sld [smem:$0x3F99];
	s0 =	simm.s32 @p0 $0x1  }
0x13: {  	[smem:$0x3FB4] =	sst s0;
	s0 =	simm.s32 @!p1 $0x0  }
0x14: {  	s2 =	sld [smem:$0x3F98];
	s0 =	simm.s32 @p1 $0x1  }
0x15: {  	[smem:$0x3FB5] =	sst s0;
	s0 =	simm.s32 @!p2 $0x0  }
0x16: {  	s3 =	sld [smem:$0x3FDB];
	s0 =	simm.s32 @p2 $0x1  }
0x17: {  	s4 =	simm.s32 $0x1BF5;
	[smem:$0x3FB7] =	sst s0  }
0x18: {  	s0 =	sld [smem:$0x3F9A];
	_ =	swait.ge [sflag:s4], $0x0  }
0x19: {  	s7 =	sld [smem:$0x3F9B]  }
0x1a: {  	s8 =	sadd.s32 $0xFFFFE003, lr  }
0x1b: {  	s9 =	sadd.s32 $0xFFFFFEF7, lr;
	s5 =	simm.s32 $0xFFFFFFFF;
	p2 =	slt.u32 s8, $0xFFFFF086  }
0x1c: {  	p1 =	slt.u32 s9, $0xF7A;
	s5 =	simm.s32 @!p2 $0x0  }
0x1d: {  	s5 =	simm.s32 @p1 $0x1;
	p0 =	seq.s32 s7, s2  }
0x1e: {  	s7 =	smul.u32 @!p0 $0xF7A, s2;
	p2 =	seq.s32 @!p0 s5, $0x0  }
0x1f: {  	s9 =	smul.u32 $0xF7A, s1;
	s8 =	simm.s32 @!p0 $0x1BF5;
	p2 =	por !p2, p0  }
0x20: {  	[sflag:s8] =	ssyncset.s32 @!p0 $0xFFFFF086;
	s6 =	sadd.s32 @!p0 s3, s7;
	s7 =	simm.s32 @!p0 $0x108  }
0x21: {  	s3 =	sadd.s32 s3, s9;
	s6 =	sadd.s32 @!p0 $0x88, s6;
	s7 =	simm.s32 @p2 $0x1082  }
0x22: {  	[simem:s7], [sflag:s8] =	dma.local @!p0 [hbm:s6], $0xF7A  }
0x23: {  	s9 =	sor.u32 $0xD0000000, s2;
	s6 =	simm.s32 $0x108;
	_ =	swait.ge @!p0 [sflag:s8], $0x0  }
0x24: {  	s3 =	sadd.s32 $0x88, s3;
	s6 =	simm.s32 @!p1 $0x1082;
	[sflag:s4] =	ssyncset.s32 $0xFFFFF086  }
0x25: {  	[simem:s6], [sflag:s4] =	dma.local [hbm:s3], $0xF7A  }
0x26: {  	[smem:$0x3F9B] =	sst s1;
	(tag) =	ssettag s2;
	_ =	strace s9  }
0x27: {  	s1 =	sld [smem:$0x3FAB]  }
0x28: {  	s2 =	sld [smem:$0x3FAC]  }
0x29: {  	s4 =	sld [smem:$0x3FAE]  }
0x2a: {  	p0 =	seq.s32 s5, $0x0;
	s5 =	sld [smem:$0x3FAF]  }
0x2b: {  	s6 =	sld [smem:$0x3FB0]  }
0x2c: {  	s7 =	sld [smem:$0x3FB1]  }
0x2d: {  	s3 =	simm.s32 $0x108;
	s8 =	sld [smem:$0x3FB2]  }
0x2e: {  	s3 =	simm.s32 @!p0 $0x1082;
	s9 =	sld [smem:$0x3FB3]  }
0x2f: {  	lr =	sadd.s32 s0, s3;
	s0 =	sld [smem:$0x3FAA]  }
0x30: {  	s3 =	sld [smem:$0x3FAD]  }
0x31: {  	[smem:$0x3FB6] =	sst s10  }
0x32: {  	s10 =	sld [smem:$0x3FB4];
	_ =	sdelay $0x3  }
0x33: {  	p0 =	seq.s32 s10, $0x1;
	s10 =	sld [smem:$0x3FB6];
	_ =	sdelay $0x3  }
0x34: {  	[smem:$0x3FB6] =	sst s10  }
0x35: {  	s10 =	sld [smem:$0x3FB5];
	_ =	sdelay $0x3  }
0x36: {  	p1 =	seq.s32 s10, $0x1;
	s10 =	sld [smem:$0x3FB6];
	_ =	sdelay $0x3  }
0x37: {  	[smem:$0x3FB6] =	sst s10  }
0x38: {  	s10 =	sld [smem:$0x3FB7]  }
0x39: {  	_ = 	snop;
	(pc) =	sbr.ind lr, $3  }
0x3a: {  	_ = 	snop  }
0x3b: {  	_ = 	snop  }
0x3c: {  	p2 =	seq.s32 s10, $0x1;
	s10 =	sld [smem:$0x3FB6]  }
0x3d: {  	_ =	shalt  }
0x3e: {  	_ =	shalt  }
0x3f: {  	_ =	shalt  }
0x40: {  	_ =	shalt  }
0x41: {  	_ =	shalt  }
0x42: {  	_ =	shalt  }
0x43: {  	_ =	shalt  }
0x44: {  	_ =	shalt  }
0x45: {  	_ =	shalt  }
0x46: {  	_ =	shalt  }
0x47: {  	_ =	shalt  }
0x48: {  	_ =	shalt  }
0x49: {  	_ =	shalt  }
0x4a: {  	_ =	shalt  }
0x4b: {  	_ =	shalt  }
0x4c: {  	_ =	shalt  }
0x4d: {  	_ =	shalt  }
0x4e: {  	_ =	shalt  }
0x4f: {  	_ =	shalt  }
0x50: {  	_ =	shalt  }
0x51: {  	_ =	shalt  }
0x52: {  	_ =	shalt  }
0x53: {  	_ =	shalt  }
0x54: {  	_ =	shalt  }
0x55: {  	_ =	shalt  }
0x56: {  	_ =	shalt  }
0x57: {  	_ =	shalt  }
0x58: {  	_ =	shalt  }
0x59: {  	_ =	shalt  }
0x5a: {  	_ =	shalt  }
0x5b: {  	_ =	shalt  }
0x5c: {  	_ =	shalt  }
0x5d: {  	_ =	shalt  }
0x5e: {  	_ =	shalt  }
0x5f: {  	_ =	shalt  }
0x60: {  	_ =	shalt  }
0x61: {  	_ =	shalt  }
0x62: {  	_ =	shalt  }
0x63: {  	_ =	shalt  }
0x64: {  	_ =	shalt  }
0x65: {  	_ =	shalt  }
0x66: {  	_ =	shalt  }
0x67: {  	_ =	shalt  }
0x68: {  	_ =	shalt  }
0x69: {  	_ =	shalt  }
0x6a: {  	_ =	shalt  }
0x6b: {  	_ =	shalt  }
0x6c: {  	_ =	shalt  }
0x6d: {  	_ =	shalt  }
0x6e: {  	_ =	shalt  }
0x6f: {  	_ =	shalt  }
0x70: {  	_ =	shalt  }
0x71: {  	_ =	shalt  }
0x72: {  	_ =	shalt  }
0x73: {  	_ =	shalt  }
0x74: {  	_ =	shalt  }
0x75: {  	_ =	shalt  }
0x76: {  	_ =	shalt  }
0x77: {  	_ =	shalt  }
0x78: {  	_ =	shalt  }
0x79: {  	_ =	shalt  }
0x7a: {  	_ =	shalt  }
0x7b: {  	_ =	shalt  }
0x7c: {  	_ =	shalt  }
0x7d: {  	_ =	shalt  }
0x7e: {  	_ =	shalt  }
0x7f: {  	_ =	shalt  }
0x80: {  	_ =	shalt  }
0x81: {  	_ =	shalt  }
0x82: {  	_ =	shalt  }
0x83: {  	_ =	shalt  }
0x84: {  	_ =	shalt  }
0x85: {  	_ =	shalt  }
0x86: {  	_ =	shalt  }
0x87: {  	_ =	shalt  }
.Lfunc_end0:
.L_simem_size_0:
called_computation_lowered:
.L_overlay_start_0:
0x88: {  	s2 =	sld [smem:$0x3FD9]  }
0x89: {  	s3 =	sld [smem:$0x3FFE];
	_ =	sdelay $0x1  }
0x8a: {  	s1 =	srdreg.scid  }
0x8b: {  	s0 =	sand.u32 $0x1, s1  }
0x8c: {  	s17 =	sshll.u32 s0, $0xA;
	s2 =	sadd.s32 s3, s2  }
0x8d: {  	s2 =	sadd.s32 s2, s17  }
0x8e: {  	[smem:$0x3FC2] =	sst s2  }
0x8f: {  	_ = 	snop  }
0x90: {  	s2 =	sld [smem:$0x3FC9];
	(tm) =	ssettm $0x1  }
0x91: {  	s18 =	sld [smem:$0x3FFB];
	_ =	sdelay $0x3  }
0x92: {  	_ =	strace s18  }
0x93: {  	s3 =	sld [smem:$0x3FFC];
	_ =	sdelay $0x3  }
0x94: {  	_ =	strace s3  }
0x95: {  	s3 =	sld [smem:$0x3FFD];
	_ =	sdelay $0x3  }
0x96: {  	_ =	strace s3  }
0x97: {  	_ =	strace $0x8FFFFFFF  }
0x98: {  	s19 =	sld [smem:$0x3FDB];
	_ =	sdelay $0x1  }
0x99: {  	s4 =	simm.s32 $_scs_section_size  }
0x9a: {  	s5 =	simm.s32 $_size__tile_overlayer_lowered;
	s6 =	simm.s32 $_tile_overlayer_lowered  }
0x9b: {  	s22 =	simm.s32 $0x1BFF;
	s21 =	sshll.u32 s6, $0x1;
	s3 =	sadd.s32 s4, s19  }
0x9c: {  	s7 =	simm.s32 $0x0;
	s20 =	sshll.u32 s5, $0x1;
	s5 =	sadd.s32 s21, s3  }
0x9d: {  	[timem:s7], [sflag:s22] =	dma.local [hbm:s5], s20  }
0x9e: {  	_ =	swait.ge [sflag:s22], s20  }
0x9f: {  	s4 =	ssub.s32 $0x0, s20;
	[sflag:s22] =	ssyncset.done $0x0  }
0xa0: {  	[sflag:s22] =	ssyncadd.s32 s4;
	_ =	sdelay $0x1  }
0xa1: {  	s23 =	simm.s32 $0x1B8B  }
0xa2: {  	_ =	swait.ge [sflag:s23], $0x1  }
0xa3: {  	[sflag:s23] =	ssyncset.done $0x0  }
0xa4: {  	s25 =	simm.s32 $0x1B8E;
	s24 =	sld [smem:$0x3FFE];
	[sflag:s23] =	ssyncadd.s32 $0xFFFFFFFF  }
0xa5: {  	s26 =	simm.s32 $execute0_lowered;
	[smem:$0x3FD2] =	sst s25  }
0xa6: {  	s5 =	sshll.u32 s26, $0x1;
	_ =	strace $0x80000046;
	[dreg:$0x1] =	wrdreg $0xFFFFFFFF  }
0xa7: {  	s28 =	simm.s32 $_size_execute0_lowered;
	s3 =	sadd.s32 s3, s5;
	[dreg:$0x0] =	wrdreg $0x0  }
0xa8: {  	s5 =	sshll.u32 s28, $0x1;
	[dreg:$0x2] =	wrdreg s3  }
0xa9: {  	[dreg:$0x3] =	wrdreg s5  }
0xaa: {  	[dreg:$0x4] =	wrdreg $0xC0  }
0xab: {  	_ =	task [dreg:s7], $0x5FFFF  }
0xac: {  	[dreg:$0x1] =	wrdreg $0xFFFFFFFF  }
0xad: {  	[dreg:$0x0] =	wrdreg $0x60  }
0xae: {  	[dreg:$0x2] =	wrdreg s24  }
0xaf: {  	[dreg:$0x3] =	wrdreg s2  }
0xb0: {  	[dreg:$0x4] =	wrdreg $0xA8000  }
0xb1: {  	[dreg:$0x5] =	wrdreg $0x9  }
0xb2: {  	_ =	task.clear_ibuf [dreg:s7], $0x6FFFF;
	_ =	strace $0x90000046  }
0xb3: {  	s29 =	simm.s32 $0x9;
	_ =	strace $0x80000048  }
0xb4: {  	_ =	swait.ge [sflag:s29], $0x1  }
0xb5: {  	[sflag:s29] =	ssyncadd.s32 $0xFFFFFFFF  }
0xb6: {  	_ =	strace $0x90000048  }
0xb7: {  	_ =	sfence  }
0xb8: {  	s30 =	sld [smem:$0x0];
	_ =	sdelay $0x2  }
0xb9: {  	s31 =	sshll.u32 s1, $0xD;
	s1 =	sshrl.u32 s1, $0x2  }
0xba: {  	s3 =	sand.u32 $0x4000, s31;
	s1 =	sadd.s32 s1, s30  }
0xbb: {  	s0 =	sor.u32 s3, s0;
	s1 =	sshll.u32 s1, $0x11  }
0xbc: {  	s0 =	sor.u32 s1, s0  }
0xbd: {  	s0 =	sadd.s32 $0x8F2B, s0  }
0xbe: {  	[sflag:s0] =	ssyncadd.remote.s32 $0x1  }
0xbf: {  	_ =	sfence.sel $0xFFFF  }
0xc0: {  	[dreg:$0x0] =	wrdreg $0xFFFFFFFF;
	(pc) =	sbr.abs _section_cstart, $3  }
0xc1: {  	[dreg:$0x1] =	wrdreg $0xFFFFFFFF  }
0xc2: {  	_ =	task.clear_ibuf [dreg:s7], $0x2FFFF;
	_ =	strace $0x9FFFFFFF  }
0xc3: {  	(tm) =	ssettm $0x7FFFFFFF  }
tec
execute0_lowered:
.L_overlay_start_1:
0x0: {  	(tag) =	ssettag $0x1  }
0x1: {  	s5 =	rddreg [dreg:$0x0]  }
0x2: {  	s1 =	rddreg [dreg:$0x1]  }
0x3: {  	s2 =	rddreg [dreg:$0x2]  }
0x4: {  	s3 =	srdreg.scid;
	s0 =	rddreg [dreg:$0x3]  }
0x5: {  	s4 =	simm.s32 $0x0;
	s17 =	simm.s32 $0x3;
	s18 =	simm.s32 $0x1400  }
0x6: {  	s19 =	simm.s32 $0x80;
	s20 =	simm.s32 $0x6800;
	s21 =	simm.s32 $0x1  }
0x7: {  	s22 =	simm.s32 $0x2;
	s23 =	simm.s32 $0x2700;
	s6 =	sand.u32 $0x1, s3  }
0x8: {  	s24 =	simm.s32 $0x2780;
	s3 =	stileid.u32;
	s7 =	smul.u32 $0x13C000, s6  }
0x9: {  	[smem:$0x7FF] =	sst s4;
	s12 =	sadd.s32 $0xC00, s5;
	s8 =	smul.u32 $0x13C00, s3  }
0xa: {  	s31 =	sshll.u32 s6, $0x4;
	s9 =	smul.u32 $0x4F000, s3;
	s6 =	ssub.s32 $0x2, s6  }
0xb: {  	s13 =	sadd.s32 $0xAC00, s5;
	_ =	strace $0x80000047;
	s10 =	sshrl.u32 s6, $0x1  }
0xc: {  	s7 =	sadd.s32 s8, s7;
	s8 =	sor.u32 s3, s31;
	s9 =	sshrl.u32 s9, $0x2  }
0xd: {  	s15 =	ssub.s32 s6, s10;
	s7 =	sshrl.u32 s7, $0x3;
	s8 =	smul.u32 $0x2800, s8  }
0xe: {  	s15 =	smax.u32 s15, $0x1;
	s14 =	sadd.s32 s7, s5;
	s5 =	sadd.s32 s9, s2  }
0xf: {  	s6 =	sadd.s32 $0x4000, s5;
	s7 =	sadd.s32 $0x8000, s5;
	s11 =	sshrl.u32 s8, $0x3  }
0x10: {  	s8 =	sadd.s32 $0xC000, s5;
	s9 =	sadd.s32 $0x10000, s5;
	s14 =	sadd.s32 $0x14C00, s14  }
0x11: {  	s16 =	sadd.s32 $0x280, s11;
	s10 =	sadd.s32 s12, s11;
	s11 =	sadd.s32 s13, s11  }
0x12: {  	v0 =	vimm.f32 $0.0e+00;
	s12 =	sadd.s32 s12, s16;
	s13 =	sadd.s32 s13, s16;
	s16 =	simm.s32 $0x2800  }
.LBB2_1:
0x13: {  	s25 =	simm.s32 $0x0;
	s26 =	simm.s32 $0x200  }
.LBB2_2:
0x14: {  	p0 =	sne.s32 s26, $0xFE00;
	[tilespmem:s25+$0x2870] =	vst v0  }
0x15: {  	[tilespmem:s25+$0x2800] =	vst v0  }
0x16: {  	[tilespmem:s25+$0x2810] =	vst v0  }
.Ltmp0:
0x17: {  	[tilespmem:s25+$0x2820] =	vst v0;
	(pc) =	sbr.rel @p0 .LBB2_2-.Ltmp0, $4  }
0x18: {  	[tilespmem:s25+$0x2830] =	vst v0  }
0x19: {  	[tilespmem:s25+$0x2840] =	vst v0  }
0x1a: {  	[tilespmem:s25+$0x2850] =	vst v0  }
0x1b: {  	[tilespmem:s25+$0x2860] =	vst v0;
	s25 =	sshra.s32 s26, $0x2;
	s26 =	sadd.s32 $0x200, s26  }
0x1c: {  	[tilespmem:s25+$0x2870] =	vst v0  }
0x1d: {  	[tilespmem:s25+$0x2800] =	vst v0  }
0x1e: {  	[tilespmem:s25+$0x2810] =	vst v0  }
0x1f: {  	[tilespmem:s25+$0x2820] =	vst v0  }
0x20: {  	[tilespmem:s25+$0x2830] =	vst v0  }
0x21: {  	[tilespmem:s25+$0x2840] =	vst v0  }
0x22: {  	[tilespmem:s25+$0x2850] =	vst v0  }
0x23: {  	[tilespmem:s25+$0x2860] =	vst v0  }
0x24: {  	[spmem:s5] =	stream.linear.scatter [tilespmem:s16], [sflag:$0x3], $0x4000, $0x38;
	[tilespmem:$0x1E400] =	vst v63  }
0x25: {  	_ =	swait.ge [sflag:s17], $0x4000  }
0x26: {  	[sflag:s17] =	ssyncset.done $0x0  }
0x27: {  	[sflag:s17] =	ssyncadd.s32 $0xFFFFC000  }
0x28: {  	[spmem:s6] =	stream.linear.scatter [tilespmem:s16], [sflag:$0x3], $0x4000, $0x38;
	[tilespmem:$0x1E400] =	vst v63  }
0x29: {  	_ =	swait.ge [sflag:s17], $0x4000  }
0x2a: {  	[sflag:s17] =	ssyncset.done $0x0  }
0x2b: {  	[sflag:s17] =	ssyncadd.s32 $0xFFFFC000  }
0x2c: {  	[spmem:s7] =	stream.linear.scatter [tilespmem:s16], [sflag:$0x3], $0x4000, $0x38;
	[tilespmem:$0x1E400] =	vst v63  }
0x2d: {  	_ =	swait.ge [sflag:s17], $0x4000  }
0x2e: {  	[sflag:s17] =	ssyncset.done $0x0  }
0x2f: {  	[sflag:s17] =	ssyncadd.s32 $0xFFFFC000  }
0x30: {  	[spmem:s8] =	stream.linear.scatter [tilespmem:s16], [sflag:$0x3], $0x4000, $0x38;
	[tilespmem:$0x1E400] =	vst v63  }
0x31: {  	_ =	swait.ge [sflag:s17], $0x4000  }
0x32: {  	[sflag:s17] =	ssyncset.done $0x0  }
0x33: {  	[sflag:s17] =	ssyncadd.s32 $0xFFFFC000  }
0x34: {  	[spmem:s9] =	stream.linear.scatter [tilespmem:s16], [sflag:$0x3], $0x3C00, $0x38;
	[tilespmem:$0x1E400] =	vst v63  }
0x35: {  	_ =	swait.ge [sflag:s17], $0x3C00  }
0x36: {  	[sflag:s17] =	ssyncset.done $0x0  }
0x37: {  	[sflag:s17] =	ssyncadd.s32 $0xFFFFC400  }
0x38: {  	s28 =	simm.s32 $0x0;
	[bflag:$0x0] =	sbarrier.arrive $0xFFFF  }
0x39: {  	[tilespmem:s28], [sflag:$0x3] =	stream.linear.gather [hbm4b:s10+s28], $0x1400, $0x38;
	[tilespmem:$0x1E400] =	vst v63  }
0x3a: {  	_ =	swait.ge [sflag:s17], $0x1400  }
0x3b: {  	[sflag:s17] =	ssyncset.done $0x0  }
0x3c: {  	[sflag:s17] =	ssyncadd.s32 $0xFFFFEC00  }
0x3d: {  	[tilespmem:s18], [sflag:$0x3] =	stream.linear.gather [hbm4b:s11+s28], $0x1400, $0x38;
	[tilespmem:$0x1E400] =	vst v63  }
0x3e: {  	_ =	swait.ge [sflag:s17], $0x1400  }
0x3f: {  	[sflag:s17] =	ssyncset.done $0x0  }
0x40: {  	[sflag:s17] =	ssyncadd.s32 $0xFFFFEC00  }
0x41: {  	[tilespmem:s16], [sflag:$0x1] =	stream.indirect.gather [hbm4b:s1+s19], $0x80, s28, s19, $0xb8;
	[tilespmem:$0x1E400] =	vst v63  }
0x42: {  	_ = 	snop  }
0x43: {  	[tilespmem:s20], [sflag:$0x2] =	stream.indirect.gather [hbm4b:s1+s19], $0x80, s19, s19, $0xb8;
	[tilespmem:$0x1E400] =	vst v63  }
0x44: {  	_ =	swait.ge [sflag:s21], $0x4000  }
0x45: {  	[sflag:s21] =	ssyncset.done $0x0  }
0x46: {  	s29 =	simm.s32 $0x1400;
	[sflag:s21] =	ssyncadd.s32 $0xFFFFC000  }
0x47: {  	[spmem:s2] =	stream.indirect.scatter.add.f32 [tilespmem:s16], [sflag:$0x3], $0x80, s29, s19, $0xb8;
	[tilespmem:$0x1E400] =	vst v63  }
0x48: {  	_ =	swait.ge [sflag:s17], $0x4000  }
0x49: {  	[sflag:s17] =	ssyncset.done $0x0  }
0x4a: {  	s30 =	simm.s32 $0x100;
	[sflag:s17] =	ssyncadd.s32 $0xFFFFC000  }
0x4b: {  	[tilespmem:s16], [sflag:$0x1] =	stream.indirect.gather [hbm4b:s1+s19], $0x80, s30, s19, $0xb8;
	[tilespmem:$0x1E400] =	vst v63  }
0x4c: {  	_ =	swait.ge [sflag:s22], $0x4000  }
0x4d: {  	[sflag:s22] =	ssyncset.done $0x0  }
0x4e: {  	s31 =	simm.s32 $0x1480;
	[sflag:s22] =	ssyncadd.s32 $0xFFFFC000  }
0x4f: {  	[spmem:s2] =	stream.indirect.scatter.add.f32 [tilespmem:s20], [sflag:$0x3], $0x80, s31, s19, $0xb8;
	[tilespmem:$0x1E400] =	vst v63  }
0x50: {  	_ =	swait.ge [sflag:s17], $0x4000  }
0x51: {  	[sflag:s17] =	ssyncset.done $0x0  }
0x52: {  	s25 =	simm.s32 $0x400;
	s26 =	simm.s32 $0x180;
	[sflag:s17] =	ssyncadd.s32 $0xFFFFC000  }
.LBB2_4:
0x53: {  	[tilespmem:s20], [sflag:$0x2] =	stream.indirect.gather [hbm4b:s1+s19], $0x80, s26, s19, $0xb8;
	[tilespmem:$0x1E400] =	vst v63  }
0x54: {  	s26 =	smov.u32 s25  }
0x55: {  	p0 =	sne.s32 s25, $0x4800;
	s25 =	sadd.s32 $0x400, s25;
	_ =	swait.ge [sflag:s21], $0x4000  }
0x56: {  	s26 =	sshra.s32 s26, $0x2;
	[sflag:s21] =	ssyncset.done $0x0  }
0x57: {  	s28 =	sadd.s32 $0x1400, s26;
	[sflag:s21] =	ssyncadd.s32 $0xFFFFC000  }
0x58: {  	[spmem:s2] =	stream.indirect.scatter.add.f32 [tilespmem:s16], [sflag:$0x3], $0x80, s28, s19, $0xb8;
	[tilespmem:$0x1E400] =	vst v63  }
0x59: {  	_ =	swait.ge [sflag:s17], $0x4000  }
0x5a: {  	[sflag:s17] =	ssyncset.done $0x0  }
0x5b: {  	s28 =	sadd.s32 $0x100, s26;
	[sflag:s17] =	ssyncadd.s32 $0xFFFFC000  }
0x5c: {  	[tilespmem:s16], [sflag:$0x1] =	stream.indirect.gather [hbm4b:s1+s19], $0x80, s28, s19, $0xb8;
	[tilespmem:$0x1E400] =	vst v63  }
0x5d: {  	_ =	swait.ge [sflag:s22], $0x4000  }
0x5e: {  	[sflag:s22] =	ssyncset.done $0x0  }
.Ltmp1:
0x5f: {  	s28 =	sadd.s32 $0x1480, s26;
	[sflag:s22] =	ssyncadd.s32 $0xFFFFC000;
	(pc) =	sbr.rel @p0 .LBB2_4-.Ltmp1, $4  }
0x60: {  	[spmem:s2] =	stream.indirect.scatter.add.f32 [tilespmem:s20], [sflag:$0x3], $0x80, s28, s19, $0xb8;
	[tilespmem:$0x1E400] =	vst v63  }
0x61: {  	_ =	swait.ge [sflag:s17], $0x4000  }
0x62: {  	[sflag:s17] =	ssyncset.done $0x0  }
0x63: {  	s26 =	sadd.s32 $0x180, s26;
	[sflag:s17] =	ssyncadd.s32 $0xFFFFC000  }
0x64: {  	[tilespmem:s20], [sflag:$0x2] =	stream.indirect.gather [hbm4b:s1+s19], $0x80, s26, s19, $0xb8;
	[tilespmem:$0x1E400] =	vst v63  }
0x65: {  	_ =	swait.ge [sflag:s21], $0x4000  }
0x66: {  	[sflag:s21] =	ssyncset.done $0x0  }
0x67: {  	[sflag:s21] =	ssyncadd.s32 $0xFFFFC000  }
0x68: {  	[spmem:s2] =	stream.indirect.scatter.add.f32 [tilespmem:s16], [sflag:$0x3], $0x80, s23, s19, $0xb8;
	[tilespmem:$0x1E400] =	vst v63  }
0x69: {  	_ =	swait.ge [sflag:s17], $0x4000  }
0x6a: {  	[sflag:s17] =	ssyncset.done $0x0  }
0x6b: {  	[sflag:s17] =	ssyncadd.s32 $0xFFFFC000  }
0x6c: {  	_ =	swait.ge [sflag:s22], $0x4000  }
0x6d: {  	[sflag:s22] =	ssyncset.done $0x0  }
0x6e: {  	[sflag:s22] =	ssyncadd.s32 $0xFFFFC000  }
0x6f: {  	[spmem:s2] =	stream.indirect.scatter.add.f32 [tilespmem:s20], [sflag:$0x3], $0x80, s24, s19, $0xb8;
	[tilespmem:$0x1E400] =	vst v63  }
0x70: {  	_ =	swait.ge [sflag:s17], $0x4000  }
0x71: {  	[sflag:s17] =	ssyncset.done $0x0  }
0x72: {  	s25 =	simm.s32 $0x0;
	[sflag:s17] =	ssyncadd.s32 $0xFFFFC000  }
0x73: {  	[tilespmem:s25], [sflag:$0x3] =	stream.linear.gather [hbm4b:s12+s25], $0x1400, $0x38;
	[tilespmem:$0x1E400] =	vst v63  }
0x74: {  	_ =	swait.ge [sflag:s17], $0x1400  }
0x75: {  	[sflag:s17] =	ssyncset.done $0x0  }
0x76: {  	[sflag:s17] =	ssyncadd.s32 $0xFFFFEC00  }
0x77: {  	[tilespmem:s18], [sflag:$0x3] =	stream.linear.gather [hbm4b:s13+s25], $0x1400, $0x38;
	[tilespmem:$0x1E400] =	vst v63  }
0x78: {  	_ =	swait.ge [sflag:s17], $0x1400  }
0x79: {  	[sflag:s17] =	ssyncset.done $0x0  }
0x7a: {  	[sflag:s17] =	ssyncadd.s32 $0xFFFFEC00  }
0x7b: {  	[tilespmem:s16], [sflag:$0x1] =	stream.indirect.gather [hbm4b:s1+s19], $0x80, s25, s19, $0xb8;
	[tilespmem:$0x1E400] =	vst v63  }
0x7c: {  	_ = 	snop  }
0x7d: {  	[tilespmem:s20], [sflag:$0x2] =	stream.indirect.gather [hbm4b:s1+s19], $0x80, s19, s19, $0xb8;
	[tilespmem:$0x1E400] =	vst v63  }
0x7e: {  	_ =	swait.ge [sflag:s21], $0x4000  }
0x7f: {  	[sflag:s21] =	ssyncset.done $0x0  }
0x80: {  	s29 =	simm.s32 $0x1400;
	[sflag:s21] =	ssyncadd.s32 $0xFFFFC000  }
0x81: {  	[spmem:s2] =	stream.indirect.scatter.add.f32 [tilespmem:s16], [sflag:$0x3], $0x80, s29, s19, $0xb8;
	[tilespmem:$0x1E400] =	vst v63  }
0x82: {  	_ =	swait.ge [sflag:s17], $0x4000  }
0x83: {  	[sflag:s17] =	ssyncset.done $0x0  }
0x84: {  	s30 =	simm.s32 $0x100;
	[sflag:s17] =	ssyncadd.s32 $0xFFFFC000  }
0x85: {  	[tilespmem:s16], [sflag:$0x1] =	stream.indirect.gather [hbm4b:s1+s19], $0x80, s30, s19, $0xb8;
	[tilespmem:$0x1E400] =	vst v63  }
0x86: {  	_ =	swait.ge [sflag:s22], $0x4000  }
0x87: {  	[sflag:s22] =	ssyncset.done $0x0  }
0x88: {  	s31 =	simm.s32 $0x1480;
	[sflag:s22] =	ssyncadd.s32 $0xFFFFC000  }
0x89: {  	[spmem:s2] =	stream.indirect.scatter.add.f32 [tilespmem:s20], [sflag:$0x3], $0x80, s31, s19, $0xb8;
	[tilespmem:$0x1E400] =	vst v63  }
0x8a: {  	_ =	swait.ge [sflag:s17], $0x4000  }
0x8b: {  	[sflag:s17] =	ssyncset.done $0x0  }
0x8c: {  	s26 =	simm.s32 $0x180;
	s25 =	simm.s32 $0x400;
	[sflag:s17] =	ssyncadd.s32 $0xFFFFC000  }
.LBB2_6:
0x8d: {  	[tilespmem:s20], [sflag:$0x2] =	stream.indirect.gather [hbm4b:s1+s19], $0x80, s26, s19, $0xb8;
	[tilespmem:$0x1E400] =	vst v63  }
0x8e: {  	s26 =	smov.u32 s25  }
0x8f: {  	p0 =	sne.s32 s25, $0x4800;
	s25 =	sadd.s32 $0x400, s25;
	_ =	swait.ge [sflag:s21], $0x4000  }
0x90: {  	s26 =	sshra.s32 s26, $0x2;
	[sflag:s21] =	ssyncset.done $0x0  }
0x91: {  	s28 =	sadd.s32 $0x1400, s26;
	[sflag:s21] =	ssyncadd.s32 $0xFFFFC000  }
0x92: {  	[spmem:s2] =	stream.indirect.scatter.add.f32 [tilespmem:s16], [sflag:$0x3], $0x80, s28, s19, $0xb8;
	[tilespmem:$0x1E400] =	vst v63  }
0x93: {  	_ =	swait.ge [sflag:s17], $0x4000  }
0x94: {  	[sflag:s17] =	ssyncset.done $0x0  }
0x95: {  	s28 =	sadd.s32 $0x100, s26;
	[sflag:s17] =	ssyncadd.s32 $0xFFFFC000  }
0x96: {  	[tilespmem:s16], [sflag:$0x1] =	stream.indirect.gather [hbm4b:s1+s19], $0x80, s28, s19, $0xb8;
	[tilespmem:$0x1E400] =	vst v63  }
0x97: {  	_ =	swait.ge [sflag:s22], $0x4000  }
0x98: {  	[sflag:s22] =	ssyncset.done $0x0  }
.Ltmp2:
0x99: {  	s28 =	sadd.s32 $0x1480, s26;
	[sflag:s22] =	ssyncadd.s32 $0xFFFFC000;
	(pc) =	sbr.rel @p0 .LBB2_6-.Ltmp2, $4  }
0x9a: {  	[spmem:s2] =	stream.indirect.scatter.add.f32 [tilespmem:s20], [sflag:$0x3], $0x80, s28, s19, $0xb8;
	[tilespmem:$0x1E400] =	vst v63  }
0x9b: {  	_ =	swait.ge [sflag:s17], $0x4000  }
0x9c: {  	[sflag:s17] =	ssyncset.done $0x0  }
0x9d: {  	s26 =	sadd.s32 $0x180, s26;
	[sflag:s17] =	ssyncadd.s32 $0xFFFFC000  }
0x9e: {  	[tilespmem:s20], [sflag:$0x2] =	stream.indirect.gather [hbm4b:s1+s19], $0x80, s26, s19, $0xb8;
	[tilespmem:$0x1E400] =	vst v63  }
0x9f: {  	_ =	swait.ge [sflag:s21], $0x4000  }
0xa0: {  	[sflag:s21] =	ssyncset.done $0x0  }
0xa1: {  	[sflag:s21] =	ssyncadd.s32 $0xFFFFC000  }
0xa2: {  	[spmem:s2] =	stream.indirect.scatter.add.f32 [tilespmem:s16], [sflag:$0x3], $0x80, s23, s19, $0xb8;
	[tilespmem:$0x1E400] =	vst v63  }
0xa3: {  	_ =	swait.ge [sflag:s17], $0x4000  }
0xa4: {  	[sflag:s17] =	ssyncset.done $0x0  }
0xa5: {  	[sflag:s17] =	ssyncadd.s32 $0xFFFFC000  }
0xa6: {  	_ =	swait.ge [sflag:s22], $0x4000  }
0xa7: {  	[sflag:s22] =	ssyncset.done $0x0  }
0xa8: {  	[sflag:s22] =	ssyncadd.s32 $0xFFFFC000  }
0xa9: {  	[spmem:s2] =	stream.indirect.scatter.add.f32 [tilespmem:s20], [sflag:$0x3], $0x80, s24, s19, $0xb8;
	[tilespmem:$0x1E400] =	vst v63  }
0xaa: {  	_ =	swait.ge [sflag:s17], $0x4000  }
0xab: {  	s25 =	sshll.u32 s3, $0x6;
	s4 =	sadd.s32 $0x1, s4;
	[sflag:s17] =	ssyncset.done $0x0  }
0xac: {  	s31 =	sshrl.u32 s5, $0x3;
	p0 =	sne.s32 s4, s15;
	[sflag:s17] =	ssyncadd.s32 $0xFFFFC000  }
.Ltmp3:
0xad: {  	s25 =	sor.u32 $0x1C03, s25;
	[bflag:$0x0] =	sbarrier.arrive $0xFFFF;
	(pc) =	sbr.rel @p0 .LBB2_1-.Ltmp3, $4  }
0xae: {  	[hbm:s14], [sflag:s25] =	dma.local [spmem:s31], $0x2780  }
0xaf: {  	_ =	swait.ge [sflag:s17], $0x2780  }
0xb0: {  	[sflag:s17] =	ssyncset.done $0x0  }
0xb1: {  	[sflag:s17] =	ssyncadd.s32 $0xFFFFD880  }
0xb2: {  	_ =	sfence.sel $0x180000  }
0xb3: {  	[bflag:$0x0] =	sbarrier.arrive $0xFFFF  }
0xb4: {  	p0 =	sne.s32 s3, $0x0;
	_ =	strace $0x90000047  }
0xb5: {  	s0 =	sadd.s32 @!p0 $0x100000, s0;
	[bflag:$0x2] =	sbarrier.arrive $0xFFFF  }
0xb6: {  	[sflag:s0] =	ssyncadd.tile.s32 @!p0 $0x1;
	_ =	shalt  }
.Lfunc_end2:
_tile_overlayer_lowered:
.L_overlay_start_2:
0xb7: {  	(tag) =	ssettag $0x2  }
0xb8: {  	s0 =	rddreg [dreg:$0x0];
	s2 =	stileid.u32  }
0xb9: {  	s1 =	rddreg [dreg:$0x1];
	p0 =	sne.s32 s2, $0x0  }
0xba: {  	s3 =	rddreg [dreg:$0x2];
	[bflag:$0x3] =	sbarrier.arrive $0xFFFF;
	s2 =	simm.s32 @!p0 $0x1C03  }
0xbb: {  	[timem:s3], [sflag:s2] =	dma.local @!p0 [hbm:s0], s1  }
0xbc: {  	s0 =	simm.s32 @!p0 $0x3  }
0xbd: {  	_ =	swait.ge @!p0 [sflag:s0], s1  }
0xbe: {  	s1 =	ssub.s32 @!p0 $0x0, s1;
	[sflag:s0] =	ssyncset.done @!p0 $0x0  }
0xbf: {  	[sflag:s0] =	ssyncadd.s32 @!p0 s1  }
0xc0: {  	[bflag:$0x3] =	sbarrier.arrive $0xFFFF  }
0xc1: {  	_ =	shalt  }

// kernel: kernel.9.cloned.1.call-start
scs
__scs_entry_jumppad:
0x0: {  	(pc) =	sbr.rel $0x88, $3  }
0x1: {  	(tag) =	ssettag $0x0;
	lr =	simm.s32 $0x1  }
0x2: {  	[smem:$0x3F9B] =	sst lr;
	_ =	strace $0xD0000000  }
0x3: {  	_ = 	snop  }
0x4: {  	_ = 	snop  }
0x5: {  	_ = 	snop  }
0x6: {  	_ = 	snop  }
0x7: {  	_ = 	snop  }
__scs_overlays_trampoline_lowered:
0x8: {  	[smem:$0x3FAA] =	sst s0  }
0x9: {  	[smem:$0x3FAB] =	sst s1  }
0xa: {  	[smem:$0x3FAC] =	sst s2  }
0xb: {  	[smem:$0x3FAD] =	sst s3  }
0xc: {  	[smem:$0x3FAE] =	sst s4  }
0xd: {  	[smem:$0x3FAF] =	sst s5  }
0xe: {  	[smem:$0x3FB0] =	sst s6  }
0xf: {  	[smem:$0x3FB1] =	sst s7  }
0x10: {  	[smem:$0x3FB2] =	sst s8  }
0x11: {  	[smem:$0x3FB3] =	sst s9;
	s0 =	simm.s32 @!p0 $0x0  }
0x12: {  	s1 =	sld [smem:$0x3F99];
	s0 =	simm.s32 @p0 $0x1  }
0x13: {  	[smem:$0x3FB4] =	sst s0;
	s0 =	simm.s32 @!p1 $0x0  }
0x14: {  	s2 =	sld [smem:$0x3F98];
	s0 =	simm.s32 @p1 $0x1  }
0x15: {  	[smem:$0x3FB5] =	sst s0;
	s0 =	simm.s32 @!p2 $0x0  }
0x16: {  	s3 =	sld [smem:$0x3FDB];
	s0 =	simm.s32 @p2 $0x1  }
0x17: {  	s4 =	simm.s32 $0x1BF5;
	[smem:$0x3FB7] =	sst s0  }
0x18: {  	s0 =	sld [smem:$0x3F9A];
	_ =	swait.ge [sflag:s4], $0x0  }
0x19: {  	s7 =	sld [smem:$0x3F9B]  }
0x1a: {  	s8 =	sadd.s32 $0xFFFFE003, lr  }
0x1b: {  	s9 =	sadd.s32 $0xFFFFFEF7, lr;
	s5 =	simm.s32 $0xFFFFFFFF;
	p2 =	slt.u32 s8, $0xFFFFF086  }
0x1c: {  	p1 =	slt.u32 s9, $0xF7A;
	s5 =	simm.s32 @!p2 $0x0  }
0x1d: {  	s5 =	simm.s32 @p1 $0x1;
	p0 =	seq.s32 s7, s2  }
0x1e: {  	s7 =	smul.u32 @!p0 $0xF7A, s2;
	p2 =	seq.s32 @!p0 s5, $0x0  }
0x1f: {  	s9 =	smul.u32 $0xF7A, s1;
	s8 =	simm.s32 @!p0 $0x1BF5;
	p2 =	por !p2, p0  }
0x20: {  	[sflag:s8] =	ssyncset.s32 @!p0 $0xFFFFF086;
	s6 =	sadd.s32 @!p0 s3, s7;
	s7 =	simm.s32 @!p0 $0x108  }
0x21: {  	s3 =	sadd.s32 s3, s9;
	s6 =	sadd.s32 @!p0 $0x88, s6;
	s7 =	simm.s32 @p2 $0x1082  }
0x22: {  	[simem:s7], [sflag:s8] =	dma.local @!p0 [hbm:s6], $0xF7A  }
0x23: {  	s9 =	sor.u32 $0xD0000000, s2;
	s6 =	simm.s32 $0x108;
	_ =	swait.ge @!p0 [sflag:s8], $0x0  }
0x24: {  	s3 =	sadd.s32 $0x88, s3;
	s6 =	simm.s32 @!p1 $0x1082;
	[sflag:s4] =	ssyncset.s32 $0xFFFFF086  }
0x25: {  	[simem:s6], [sflag:s4] =	dma.local [hbm:s3], $0xF7A  }
0x26: {  	[smem:$0x3F9B] =	sst s1;
	(tag) =	ssettag s2;
	_ =	strace s9  }
0x27: {  	s1 =	sld [smem:$0x3FAB]  }
0x28: {  	s2 =	sld [smem:$0x3FAC]  }
0x29: {  	s4 =	sld [smem:$0x3FAE]  }
0x2a: {  	p0 =	seq.s32 s5, $0x0;
	s5 =	sld [smem:$0x3FAF]  }
0x2b: {  	s6 =	sld [smem:$0x3FB0]  }
0x2c: {  	s7 =	sld [smem:$0x3FB1]  }
0x2d: {  	s3 =	simm.s32 $0x108;
	s8 =	sld [smem:$0x3FB2]  }
0x2e: {  	s3 =	simm.s32 @!p0 $0x1082;
	s9 =	sld [smem:$0x3FB3]  }
0x2f: {  	lr =	sadd.s32 s0, s3;
	s0 =	sld [smem:$0x3FAA]  }
0x30: {  	s3 =	sld [smem:$0x3FAD]  }
0x31: {  	[smem:$0x3FB6] =	sst s10  }
0x32: {  	s10 =	sld [smem:$0x3FB4];
	_ =	sdelay $0x3  }
0x33: {  	p0 =	seq.s32 s10, $0x1;
	s10 =	sld [smem:$0x3FB6];
	_ =	sdelay $0x3  }
0x34: {  	[smem:$0x3FB6] =	sst s10  }
0x35: {  	s10 =	sld [smem:$0x3FB5];
	_ =	sdelay $0x3  }
0x36: {  	p1 =	seq.s32 s10, $0x1;
	s10 =	sld [smem:$0x3FB6];
	_ =	sdelay $0x3  }
0x37: {  	[smem:$0x3FB6] =	sst s10  }
0x38: {  	s10 =	sld [smem:$0x3FB7]  }
0x39: {  	_ = 	snop;
	(pc) =	sbr.ind lr, $3  }
0x3a: {  	_ = 	snop  }
0x3b: {  	_ = 	snop  }
0x3c: {  	p2 =	seq.s32 s10, $0x1;
	s10 =	sld [smem:$0x3FB6]  }
0x3d: {  	_ =	shalt  }
0x3e: {  	_ =	shalt  }
0x3f: {  	_ =	shalt  }
0x40: {  	_ =	shalt  }
0x41: {  	_ =	shalt  }
0x42: {  	_ =	shalt  }
0x43: {  	_ =	shalt  }
0x44: {  	_ =	shalt  }
0x45: {  	_ =	shalt  }
0x46: {  	_ =	shalt  }
0x47: {  	_ =	shalt  }
0x48: {  	_ =	shalt  }
0x49: {  	_ =	shalt  }
0x4a: {  	_ =	shalt  }
0x4b: {  	_ =	shalt  }
0x4c: {  	_ =	shalt  }
0x4d: {  	_ =	shalt  }
0x4e: {  	_ =	shalt  }
0x4f: {  	_ =	shalt  }
0x50: {  	_ =	shalt  }
0x51: {  	_ =	shalt  }
0x52: {  	_ =	shalt  }
0x53: {  	_ =	shalt  }
0x54: {  	_ =	shalt  }
0x55: {  	_ =	shalt  }
0x56: {  	_ =	shalt  }
0x57: {  	_ =	shalt  }
0x58: {  	_ =	shalt  }
0x59: {  	_ =	shalt  }
0x5a: {  	_ =	shalt  }
0x5b: {  	_ =	shalt  }
0x5c: {  	_ =	shalt  }
0x5d: {  	_ =	shalt  }
0x5e: {  	_ =	shalt  }
0x5f: {  	_ =	shalt  }
0x60: {  	_ =	shalt  }
0x61: {  	_ =	shalt  }
0x62: {  	_ =	shalt  }
0x63: {  	_ =	shalt  }
0x64: {  	_ =	shalt  }
0x65: {  	_ =	shalt  }
0x66: {  	_ =	shalt  }
0x67: {  	_ =	shalt  }
0x68: {  	_ =	shalt  }
0x69: {  	_ =	shalt  }
0x6a: {  	_ =	shalt  }
0x6b: {  	_ =	shalt  }
0x6c: {  	_ =	shalt  }
0x6d: {  	_ =	shalt  }
0x6e: {  	_ =	shalt  }
0x6f: {  	_ =	shalt  }
0x70: {  	_ =	shalt  }
0x71: {  	_ =	shalt  }
0x72: {  	_ =	shalt  }
0x73: {  	_ =	shalt  }
0x74: {  	_ =	shalt  }
0x75: {  	_ =	shalt  }
0x76: {  	_ =	shalt  }
0x77: {  	_ =	shalt  }
0x78: {  	_ =	shalt  }
0x79: {  	_ =	shalt  }
0x7a: {  	_ =	shalt  }
0x7b: {  	_ =	shalt  }
0x7c: {  	_ =	shalt  }
0x7d: {  	_ =	shalt  }
0x7e: {  	_ =	shalt  }
0x7f: {  	_ =	shalt  }
0x80: {  	_ =	shalt  }
0x81: {  	_ =	shalt  }
0x82: {  	_ =	shalt  }
0x83: {  	_ =	shalt  }
0x84: {  	_ =	shalt  }
0x85: {  	_ =	shalt  }
0x86: {  	_ =	shalt  }
0x87: {  	_ =	shalt  }
.Lfunc_end0:
.L_simem_size_0:
called_computation.1_lowered:
.L_overlay_start_0:
0x88: {  	s2 =	sld [smem:$0x3FD9]  }
0x89: {  	s3 =	sld [smem:$0x3FFE];
	_ =	sdelay $0x1  }
0x8a: {  	s1 =	srdreg.scid  }
0x8b: {  	s0 =	sand.u32 $0x1, s1  }
0x8c: {  	s17 =	sshll.u32 s0, $0xA;
	s2 =	sadd.s32 s3, s2  }
0x8d: {  	s2 =	sadd.s32 s2, s17  }
0x8e: {  	[smem:$0x3FC2] =	sst s2  }
0x8f: {  	_ = 	snop  }
0x90: {  	s2 =	sld [smem:$0x3FD0];
	(tm) =	ssettm $0x1  }
0x91: {  	s18 =	sld [smem:$0x3FFB];
	_ =	sdelay $0x3  }
0x92: {  	_ =	strace s18  }
0x93: {  	s3 =	sld [smem:$0x3FFC];
	_ =	sdelay $0x3  }
0x94: {  	_ =	strace s3  }
0x95: {  	s3 =	sld [smem:$0x3FFD];
	_ =	sdelay $0x3  }
0x96: {  	_ =	strace s3  }
0x97: {  	_ =	strace $0x8FFFFFFF  }
0x98: {  	s19 =	sld [smem:$0x3FDB];
	_ =	sdelay $0x1  }
0x99: {  	s4 =	simm.s32 $_scs_section_size  }
0x9a: {  	s5 =	simm.s32 $_size__tile_overlayer_lowered;
	s6 =	simm.s32 $_tile_overlayer_lowered  }
0x9b: {  	s22 =	simm.s32 $0x1BFF;
	s21 =	sshll.u32 s6, $0x1;
	s3 =	sadd.s32 s4, s19  }
0x9c: {  	s7 =	simm.s32 $0x0;
	s20 =	sshll.u32 s5, $0x1;
	s5 =	sadd.s32 s21, s3  }
0x9d: {  	[timem:s7], [sflag:s22] =	dma.local [hbm:s5], s20  }
0x9e: {  	_ =	swait.ge [sflag:s22], s20  }
0x9f: {  	s4 =	ssub.s32 $0x0, s20;
	[sflag:s22] =	ssyncset.done $0x0  }
0xa0: {  	[sflag:s22] =	ssyncadd.s32 s4;
	_ =	sdelay $0x1  }
0xa1: {  	s23 =	simm.s32 $0x1B8B  }
0xa2: {  	_ =	swait.ge [sflag:s23], $0x1  }
0xa3: {  	[sflag:s23] =	ssyncset.done $0x0  }
0xa4: {  	s25 =	simm.s32 $0x1B8E;
	s24 =	sld [smem:$0x3FFE];
	[sflag:s23] =	ssyncadd.s32 $0xFFFFFFFF  }
0xa5: {  	s26 =	simm.s32 $execute0_lowered;
	[smem:$0x3FD2] =	sst s25  }
0xa6: {  	s5 =	sshll.u32 s26, $0x1;
	_ =	strace $0x80000049;
	[dreg:$0x1] =	wrdreg $0xFFFFFFFF  }
0xa7: {  	s28 =	simm.s32 $_size_execute0_lowered;
	s3 =	sadd.s32 s3, s5;
	[dreg:$0x0] =	wrdreg $0x0  }
0xa8: {  	s5 =	sshll.u32 s28, $0x1;
	[dreg:$0x2] =	wrdreg s3  }
0xa9: {  	[dreg:$0x3] =	wrdreg s5  }
0xaa: {  	[dreg:$0x4] =	wrdreg $0xC0  }
0xab: {  	_ =	task [dreg:s7], $0x5FFFF  }
0xac: {  	[dreg:$0x1] =	wrdreg $0xFFFFFFFF  }
0xad: {  	[dreg:$0x0] =	wrdreg $0x60  }
0xae: {  	[dreg:$0x2] =	wrdreg s24  }
0xaf: {  	[dreg:$0x3] =	wrdreg s2  }
0xb0: {  	[dreg:$0x4] =	wrdreg $0x38000  }
0xb1: {  	[dreg:$0x5] =	wrdreg $0x9  }
0xb2: {  	_ =	task.clear_ibuf [dreg:s7], $0x6FFFF;
	_ =	strace $0x90000049  }
0xb3: {  	s29 =	simm.s32 $0x9;
	_ =	strace $0x8000004B  }
0xb4: {  	_ =	swait.ge [sflag:s29], $0x1  }
0xb5: {  	[sflag:s29] =	ssyncadd.s32 $0xFFFFFFFF  }
0xb6: {  	_ =	strace $0x9000004B  }
0xb7: {  	_ =	sfence  }
0xb8: {  	s30 =	sld [smem:$0x0];
	_ =	sdelay $0x2  }
0xb9: {  	s31 =	sshll.u32 s1, $0xD;
	s1 =	sshrl.u32 s1, $0x2  }
0xba: {  	s3 =	sand.u32 $0x4000, s31;
	s1 =	sadd.s32 s1, s30  }
0xbb: {  	s0 =	sor.u32 s3, s0;
	s1 =	sshll.u32 s1, $0x11  }
0xbc: {  	s0 =	sor.u32 s1, s0  }
0xbd: {  	s0 =	sadd.s32 $0x8F2B, s0  }
0xbe: {  	[sflag:s0] =	ssyncadd.remote.s32 $0x1  }
0xbf: {  	_ =	sfence.sel $0xFFFF  }
0xc0: {  	[dreg:$0x0] =	wrdreg $0xFFFFFFFF;
	(pc) =	sbr.abs _section_cstart, $3  }
0xc1: {  	[dreg:$0x1] =	wrdreg $0xFFFFFFFF  }
0xc2: {  	_ =	task.clear_ibuf [dreg:s7], $0x2FFFF;
	_ =	strace $0x9FFFFFFF  }
0xc3: {  	(tm) =	ssettm $0x7FFFFFFF  }
tec
execute0_lowered:
.L_overlay_start_1:
0x0: {  	(tag) =	ssettag $0x1  }
0x1: {  	s5 =	rddreg [dreg:$0x0]  }
0x2: {  	s2 =	rddreg [dreg:$0x1]  }
0x3: {  	s3 =	rddreg [dreg:$0x2]  }
0x4: {  	s0 =	rddreg [dreg:$0x3]  }
0x5: {  	s6 =	srdreg.scid;
	s1 =	stileid.u32  }
0x6: {  	s4 =	simm.s32 $0x0;
	s17 =	simm.s32 $0x3;
	s18 =	simm.s32 $0x1400  }
0x7: {  	s19 =	simm.s32 $0x80;
	s20 =	simm.s32 $0x3000;
	s21 =	simm.s32 $0x1  }
0x8: {  	s22 =	simm.s32 $0x2;
	s23 =	simm.s32 $0x2700;
	s24 =	simm.s32 $0x2780  }
0x9: {  	s6 =	sand.u32 $0x1, s6;
	s7 =	smul.u32 $0x2780, s1;
	[smem:$0x7FF] =	sst s4  }
0xa: {  	s12 =	sadd.s32 $0xC00, s5;
	s13 =	sadd.s32 $0xAC00, s5;
	s10 =	smul.u32 $0x9E00, s1  }
0xb: {  	s8 =	smul.u32 $0x27800, s6;
	s9 =	sshll.u32 s6, $0x4;
	s26 =	ssub.s32 $0x2, s6  }
0xc: {  	_ =	strace $0x8000004A;
	s28 =	sor.u32 s1, s9;
	s29 =	sshrl.u32 s26, $0x1  }
0xd: {  	s30 =	sshrl.u32 s10, $0x2;
	s8 =	sadd.s32 s7, s8;
	s31 =	smul.u32 $0x2800, s28  }
0xe: {  	s15 =	ssub.s32 s26, s29;
	s9 =	sadd.s32 s30, s3;
	s8 =	sshrl.u32 s8, $0x3  }
0xf: {  	s6 =	sadd.s32 $0x800, s9;
	s15 =	smax.u32 s15, $0x1;
	s14 =	sadd.s32 s8, s5  }
0x10: {  	s5 =	sadd.s32 s7, s3;
	s7 =	sadd.s32 $0x1000, s9;
	s11 =	sshrl.u32 s31, $0x3  }
0x11: {  	s8 =	sadd.s32 $0x1800, s9;
	s9 =	sadd.s32 $0x2000, s9;
	s16 =	sadd.s32 $0x280, s11  }
0x12: {  	s10 =	sadd.s32 s12, s11;
	s11 =	sadd.s32 s13, s11;
	s14 =	sadd.s32 $0x14C00, s14  }
0x13: {  	v0 =	vimm.f32 $0.0e+00;
	s12 =	sadd.s32 s12, s16;
	s13 =	sadd.s32 s13, s16;
	s16 =	simm.s32 $0x2800  }
.LBB2_1:
0x14: {  	s25 =	simm.s32 $0x40;
	s26 =	simm.s32 $0x0  }
.LBB2_2:
0x15: {  	p0 =	sne.s32 s25, $0x1FC0;
	[tilespmem:s26+$0x2800] =	vst v0;
	s26 =	smov.u32 s25;
	s25 =	sadd.s32 $0x40, s25  }
.Ltmp0:
0x16: {  	(pc) =	sbr.rel @p0 .LBB2_2-.Ltmp0, $2  }
0x17: {  	_ =	sdelay $0x2  }
0x18: {  	s26 =	sshra.s32 s26, $0x2  }
0x19: {  	[tilespmem:s26+$0x2800] =	vst v0  }
0x1a: {  	[spmem:s5] =	stream.linear.scatter [tilespmem:s16], [sflag:$0x3], $0x800, $0x38;
	[tilespmem:$0x5F80] =	vst v63  }
0x1b: {  	_ =	swait.ge [sflag:s17], $0x800  }
0x1c: {  	[sflag:s17] =	ssyncset.done $0x0  }
0x1d: {  	[sflag:s17] =	ssyncadd.s32 $0xFFFFF800  }
0x1e: {  	[spmem:s6] =	stream.linear.scatter [tilespmem:s16], [sflag:$0x3], $0x800, $0x38;
	[tilespmem:$0x5F80] =	vst v63  }
0x1f: {  	_ =	swait.ge [sflag:s17], $0x800  }
0x20: {  	[sflag:s17] =	ssyncset.done $0x0  }
0x21: {  	[sflag:s17] =	ssyncadd.s32 $0xFFFFF800  }
0x22: {  	[spmem:s7] =	stream.linear.scatter [tilespmem:s16], [sflag:$0x3], $0x800, $0x38;
	[tilespmem:$0x5F80] =	vst v63  }
0x23: {  	_ =	swait.ge [sflag:s17], $0x800  }
0x24: {  	[sflag:s17] =	ssyncset.done $0x0  }
0x25: {  	[sflag:s17] =	ssyncadd.s32 $0xFFFFF800  }
0x26: {  	[spmem:s8] =	stream.linear.scatter [tilespmem:s16], [sflag:$0x3], $0x800, $0x38;
	[tilespmem:$0x5F80] =	vst v63  }
0x27: {  	_ =	swait.ge [sflag:s17], $0x800  }
0x28: {  	[sflag:s17] =	ssyncset.done $0x0  }
0x29: {  	[sflag:s17] =	ssyncadd.s32 $0xFFFFF800  }
0x2a: {  	[spmem:s9] =	stream.linear.scatter [tilespmem:s16], [sflag:$0x3], $0x780, $0x38;
	[tilespmem:$0x5F80] =	vst v63  }
0x2b: {  	_ =	swait.ge [sflag:s17], $0x780  }
0x2c: {  	[sflag:s17] =	ssyncset.done $0x0  }
0x2d: {  	[sflag:s17] =	ssyncadd.s32 $0xFFFFF880  }
0x2e: {  	s25 =	simm.s32 $0x0;
	[bflag:$0x0] =	sbarrier.arrive $0xFFFF  }
0x2f: {  	[tilespmem:s25], [sflag:$0x3] =	stream.linear.gather [hbm4b:s10+s25], $0x1400, $0x38;
	[tilespmem:$0x5F80] =	vst v63  }
0x30: {  	_ =	swait.ge [sflag:s17], $0x1400  }
0x31: {  	[sflag:s17] =	ssyncset.done $0x0  }
0x32: {  	[sflag:s17] =	ssyncadd.s32 $0xFFFFEC00  }
0x33: {  	[tilespmem:s18], [sflag:$0x3] =	stream.linear.gather [hbm4b:s11+s25], $0x1400, $0x38;
	[tilespmem:$0x5F80] =	vst v63  }
0x34: {  	_ =	swait.ge [sflag:s17], $0x1400  }
0x35: {  	[sflag:s17] =	ssyncset.done $0x0  }
0x36: {  	[sflag:s17] =	ssyncadd.s32 $0xFFFFEC00  }
0x37: {  	[tilespmem:s16], [sflag:$0x1] =	stream.indirect.gather [hbm4b:s2+s19], $0x10, s25, s19, $0xb8;
	[tilespmem:$0x5F80] =	vst v63  }
0x38: {  	_ = 	snop  }
0x39: {  	[tilespmem:s20], [sflag:$0x2] =	stream.indirect.gather [hbm4b:s2+s19], $0x10, s19, s19, $0xb8;
	[tilespmem:$0x5F80] =	vst v63  }
0x3a: {  	_ =	swait.ge [sflag:s21], $0x800  }
0x3b: {  	[sflag:s21] =	ssyncset.done $0x0  }
0x3c: {  	s29 =	simm.s32 $0x1400;
	[sflag:s21] =	ssyncadd.s32 $0xFFFFF800  }
0x3d: {  	[spmem:s3] =	stream.indirect.scatter.add.f32 [tilespmem:s16], [sflag:$0x3], $0x10, s29, s19, $0xb8;
	[tilespmem:$0x5F80] =	vst v63  }
0x3e: {  	_ =	swait.ge [sflag:s17], $0x800  }
0x3f: {  	[sflag:s17] =	ssyncset.done $0x0  }
0x40: {  	s30 =	simm.s32 $0x100;
	[sflag:s17] =	ssyncadd.s32 $0xFFFFF800  }
0x41: {  	[tilespmem:s16], [sflag:$0x1] =	stream.indirect.gather [hbm4b:s2+s19], $0x10, s30, s19, $0xb8;
	[tilespmem:$0x5F80] =	vst v63  }
0x42: {  	_ =	swait.ge [sflag:s22], $0x800  }
0x43: {  	[sflag:s22] =	ssyncset.done $0x0  }
0x44: {  	s31 =	simm.s32 $0x1480;
	[sflag:s22] =	ssyncadd.s32 $0xFFFFF800  }
0x45: {  	[spmem:s3] =	stream.indirect.scatter.add.f32 [tilespmem:s20], [sflag:$0x3], $0x10, s31, s19, $0xb8;
	[tilespmem:$0x5F80] =	vst v63  }
0x46: {  	_ =	swait.ge [sflag:s17], $0x800  }
0x47: {  	[sflag:s17] =	ssyncset.done $0x0  }
0x48: {  	s26 =	simm.s32 $0x180;
	s25 =	simm.s32 $0x400;
	[sflag:s17] =	ssyncadd.s32 $0xFFFFF800  }
.LBB2_4:
0x49: {  	[tilespmem:s20], [sflag:$0x2] =	stream.indirect.gather [hbm4b:s2+s19], $0x10, s26, s19, $0xb8;
	[tilespmem:$0x5F80] =	vst v63  }
0x4a: {  	s26 =	smov.u32 s25  }
0x4b: {  	p0 =	sne.s32 s25, $0x4800;
	s25 =	sadd.s32 $0x400, s25;
	_ =	swait.ge [sflag:s21], $0x800  }
0x4c: {  	s26 =	sshra.s32 s26, $0x2;
	[sflag:s21] =	ssyncset.done $0x0  }
0x4d: {  	s28 =	sadd.s32 $0x1400, s26;
	[sflag:s21] =	ssyncadd.s32 $0xFFFFF800  }
0x4e: {  	[spmem:s3] =	stream.indirect.scatter.add.f32 [tilespmem:s16], [sflag:$0x3], $0x10, s28, s19, $0xb8;
	[tilespmem:$0x5F80] =	vst v63  }
0x4f: {  	_ =	swait.ge [sflag:s17], $0x800  }
0x50: {  	[sflag:s17] =	ssyncset.done $0x0  }
0x51: {  	s28 =	sadd.s32 $0x100, s26;
	[sflag:s17] =	ssyncadd.s32 $0xFFFFF800  }
0x52: {  	[tilespmem:s16], [sflag:$0x1] =	stream.indirect.gather [hbm4b:s2+s19], $0x10, s28, s19, $0xb8;
	[tilespmem:$0x5F80] =	vst v63  }
0x53: {  	_ =	swait.ge [sflag:s22], $0x800  }
0x54: {  	[sflag:s22] =	ssyncset.done $0x0  }
.Ltmp1:
0x55: {  	s28 =	sadd.s32 $0x1480, s26;
	[sflag:s22] =	ssyncadd.s32 $0xFFFFF800;
	(pc) =	sbr.rel @p0 .LBB2_4-.Ltmp1, $4  }
0x56: {  	[spmem:s3] =	stream.indirect.scatter.add.f32 [tilespmem:s20], [sflag:$0x3], $0x10, s28, s19, $0xb8;
	[tilespmem:$0x5F80] =	vst v63  }
0x57: {  	_ =	swait.ge [sflag:s17], $0x800  }
0x58: {  	[sflag:s17] =	ssyncset.done $0x0  }
0x59: {  	s26 =	sadd.s32 $0x180, s26;
	[sflag:s17] =	ssyncadd.s32 $0xFFFFF800  }
0x5a: {  	[tilespmem:s20], [sflag:$0x2] =	stream.indirect.gather [hbm4b:s2+s19], $0x10, s26, s19, $0xb8;
	[tilespmem:$0x5F80] =	vst v63  }
0x5b: {  	_ =	swait.ge [sflag:s21], $0x800  }
0x5c: {  	[sflag:s21] =	ssyncset.done $0x0  }
0x5d: {  	[sflag:s21] =	ssyncadd.s32 $0xFFFFF800  }
0x5e: {  	[spmem:s3] =	stream.indirect.scatter.add.f32 [tilespmem:s16], [sflag:$0x3], $0x10, s23, s19, $0xb8;
	[tilespmem:$0x5F80] =	vst v63  }
0x5f: {  	_ =	swait.ge [sflag:s17], $0x800  }
0x60: {  	[sflag:s17] =	ssyncset.done $0x0  }
0x61: {  	[sflag:s17] =	ssyncadd.s32 $0xFFFFF800  }
0x62: {  	_ =	swait.ge [sflag:s22], $0x800  }
0x63: {  	[sflag:s22] =	ssyncset.done $0x0  }
0x64: {  	[sflag:s22] =	ssyncadd.s32 $0xFFFFF800  }
0x65: {  	[spmem:s3] =	stream.indirect.scatter.add.f32 [tilespmem:s20], [sflag:$0x3], $0x10, s24, s19, $0xb8;
	[tilespmem:$0x5F80] =	vst v63  }
0x66: {  	_ =	swait.ge [sflag:s17], $0x800  }
0x67: {  	[sflag:s17] =	ssyncset.done $0x0  }
0x68: {  	s25 =	simm.s32 $0x0;
	[sflag:s17] =	ssyncadd.s32 $0xFFFFF800  }
0x69: {  	[tilespmem:s25], [sflag:$0x3] =	stream.linear.gather [hbm4b:s12+s25], $0x1400, $0x38;
	[tilespmem:$0x5F80] =	vst v63  }
0x6a: {  	_ =	swait.ge [sflag:s17], $0x1400  }
0x6b: {  	[sflag:s17] =	ssyncset.done $0x0  }
0x6c: {  	[sflag:s17] =	ssyncadd.s32 $0xFFFFEC00  }
0x6d: {  	[tilespmem:s18], [sflag:$0x3] =	stream.linear.gather [hbm4b:s13+s25], $0x1400, $0x38;
	[tilespmem:$0x5F80] =	vst v63  }
0x6e: {  	_ =	swait.ge [sflag:s17], $0x1400  }
0x6f: {  	[sflag:s17] =	ssyncset.done $0x0  }
0x70: {  	[sflag:s17] =	ssyncadd.s32 $0xFFFFEC00  }
0x71: {  	[tilespmem:s16], [sflag:$0x1] =	stream.indirect.gather [hbm4b:s2+s19], $0x10, s25, s19, $0xb8;
	[tilespmem:$0x5F80] =	vst v63  }
0x72: {  	_ = 	snop  }
0x73: {  	[tilespmem:s20], [sflag:$0x2] =	stream.indirect.gather [hbm4b:s2+s19], $0x10, s19, s19, $0xb8;
	[tilespmem:$0x5F80] =	vst v63  }
0x74: {  	_ =	swait.ge [sflag:s21], $0x800  }
0x75: {  	[sflag:s21] =	ssyncset.done $0x0  }
0x76: {  	s29 =	simm.s32 $0x1400;
	[sflag:s21] =	ssyncadd.s32 $0xFFFFF800  }
0x77: {  	[spmem:s3] =	stream.indirect.scatter.add.f32 [tilespmem:s16], [sflag:$0x3], $0x10, s29, s19, $0xb8;
	[tilespmem:$0x5F80] =	vst v63  }
0x78: {  	_ =	swait.ge [sflag:s17], $0x800  }
0x79: {  	[sflag:s17] =	ssyncset.done $0x0  }
0x7a: {  	s30 =	simm.s32 $0x100;
	[sflag:s17] =	ssyncadd.s32 $0xFFFFF800  }
0x7b: {  	[tilespmem:s16], [sflag:$0x1] =	stream.indirect.gather [hbm4b:s2+s19], $0x10, s30, s19, $0xb8;
	[tilespmem:$0x5F80] =	vst v63  }
0x7c: {  	_ =	swait.ge [sflag:s22], $0x800  }
0x7d: {  	[sflag:s22] =	ssyncset.done $0x0  }
0x7e: {  	s31 =	simm.s32 $0x1480;
	[sflag:s22] =	ssyncadd.s32 $0xFFFFF800  }
0x7f: {  	[spmem:s3] =	stream.indirect.scatter.add.f32 [tilespmem:s20], [sflag:$0x3], $0x10, s31, s19, $0xb8;
	[tilespmem:$0x5F80] =	vst v63  }
0x80: {  	_ =	swait.ge [sflag:s17], $0x800  }
0x81: {  	[sflag:s17] =	ssyncset.done $0x0  }
0x82: {  	s26 =	simm.s32 $0x180;
	s25 =	simm.s32 $0x400;
	[sflag:s17] =	ssyncadd.s32 $0xFFFFF800  }
.LBB2_6:
0x83: {  	[tilespmem:s20], [sflag:$0x2] =	stream.indirect.gather [hbm4b:s2+s19], $0x10, s26, s19, $0xb8;
	[tilespmem:$0x5F80] =	vst v63  }
0x84: {  	s26 =	smov.u32 s25  }
0x85: {  	p0 =	sne.s32 s25, $0x4800;
	s25 =	sadd.s32 $0x400, s25;
	_ =	swait.ge [sflag:s21], $0x800  }
0x86: {  	s26 =	sshra.s32 s26, $0x2;
	[sflag:s21] =	ssyncset.done $0x0  }
0x87: {  	s28 =	sadd.s32 $0x1400, s26;
	[sflag:s21] =	ssyncadd.s32 $0xFFFFF800  }
0x88: {  	[spmem:s3] =	stream.indirect.scatter.add.f32 [tilespmem:s16], [sflag:$0x3], $0x10, s28, s19, $0xb8;
	[tilespmem:$0x5F80] =	vst v63  }
0x89: {  	_ =	swait.ge [sflag:s17], $0x800  }
0x8a: {  	[sflag:s17] =	ssyncset.done $0x0  }
0x8b: {  	s28 =	sadd.s32 $0x100, s26;
	[sflag:s17] =	ssyncadd.s32 $0xFFFFF800  }
0x8c: {  	[tilespmem:s16], [sflag:$0x1] =	stream.indirect.gather [hbm4b:s2+s19], $0x10, s28, s19, $0xb8;
	[tilespmem:$0x5F80] =	vst v63  }
0x8d: {  	_ =	swait.ge [sflag:s22], $0x800  }
0x8e: {  	[sflag:s22] =	ssyncset.done $0x0  }
.Ltmp2:
0x8f: {  	s28 =	sadd.s32 $0x1480, s26;
	[sflag:s22] =	ssyncadd.s32 $0xFFFFF800;
	(pc) =	sbr.rel @p0 .LBB2_6-.Ltmp2, $4  }
0x90: {  	[spmem:s3] =	stream.indirect.scatter.add.f32 [tilespmem:s20], [sflag:$0x3], $0x10, s28, s19, $0xb8;
	[tilespmem:$0x5F80] =	vst v63  }
0x91: {  	_ =	swait.ge [sflag:s17], $0x800  }
0x92: {  	[sflag:s17] =	ssyncset.done $0x0  }
0x93: {  	s26 =	sadd.s32 $0x180, s26;
	[sflag:s17] =	ssyncadd.s32 $0xFFFFF800  }
0x94: {  	[tilespmem:s20], [sflag:$0x2] =	stream.indirect.gather [hbm4b:s2+s19], $0x10, s26, s19, $0xb8;
	[tilespmem:$0x5F80] =	vst v63  }
0x95: {  	_ =	swait.ge [sflag:s21], $0x800  }
0x96: {  	[sflag:s21] =	ssyncset.done $0x0  }
0x97: {  	[sflag:s21] =	ssyncadd.s32 $0xFFFFF800  }
0x98: {  	[spmem:s3] =	stream.indirect.scatter.add.f32 [tilespmem:s16], [sflag:$0x3], $0x10, s23, s19, $0xb8;
	[tilespmem:$0x5F80] =	vst v63  }
0x99: {  	_ =	swait.ge [sflag:s17], $0x800  }
0x9a: {  	[sflag:s17] =	ssyncset.done $0x0  }
0x9b: {  	[sflag:s17] =	ssyncadd.s32 $0xFFFFF800  }
0x9c: {  	_ =	swait.ge [sflag:s22], $0x800  }
0x9d: {  	[sflag:s22] =	ssyncset.done $0x0  }
0x9e: {  	[sflag:s22] =	ssyncadd.s32 $0xFFFFF800  }
0x9f: {  	[spmem:s3] =	stream.indirect.scatter.add.f32 [tilespmem:s20], [sflag:$0x3], $0x10, s24, s19, $0xb8;
	[tilespmem:$0x5F80] =	vst v63  }
0xa0: {  	_ =	swait.ge [sflag:s17], $0x800  }
0xa1: {  	s25 =	sshll.u32 s1, $0x6;
	s4 =	sadd.s32 $0x1, s4;
	[sflag:s17] =	ssyncset.done $0x0  }
0xa2: {  	s31 =	sshrl.u32 s5, $0x3;
	p0 =	sne.s32 s4, s15;
	[sflag:s17] =	ssyncadd.s32 $0xFFFFF800  }
.Ltmp3:
0xa3: {  	s25 =	sor.u32 $0x1C03, s25;
	[bflag:$0x0] =	sbarrier.arrive $0xFFFF;
	(pc) =	sbr.rel @p0 .LBB2_1-.Ltmp3, $4  }
0xa4: {  	[hbm:s14], [sflag:s25] =	dma.local [spmem:s31], $0x4F0  }
0xa5: {  	_ =	swait.ge [sflag:s17], $0x4F0  }
0xa6: {  	[sflag:s17] =	ssyncset.done $0x0  }
0xa7: {  	[sflag:s17] =	ssyncadd.s32 $0xFFFFFB10  }
0xa8: {  	_ =	sfence.sel $0x180000  }
0xa9: {  	[bflag:$0x0] =	sbarrier.arrive $0xFFFF  }
0xaa: {  	p0 =	sne.s32 s1, $0x0;
	_ =	strace $0x9000004A  }
0xab: {  	s0 =	sadd.s32 @!p0 $0x100000, s0;
	[bflag:$0x2] =	sbarrier.arrive $0xFFFF  }
0xac: {  	[sflag:s0] =	ssyncadd.tile.s32 @!p0 $0x1;
	_ =	shalt  }
.Lfunc_end2:
_tile_overlayer_lowered:
.L_overlay_start_2:
0xad: {  	(tag) =	ssettag $0x2  }
0xae: {  	s0 =	rddreg [dreg:$0x0];
	s2 =	stileid.u32  }
0xaf: {  	s1 =	rddreg [dreg:$0x1];
	p0 =	sne.s32 s2, $0x0  }
0xb0: {  	s3 =	rddreg [dreg:$0x2];
	[bflag:$0x3] =	sbarrier.arrive $0xFFFF;
	s2 =	simm.s32 @!p0 $0x1C03  }
0xb1: {  	[timem:s3], [sflag:s2] =	dma.local @!p0 [hbm:s0], s1  }
0xb2: {  	s0 =	simm.s32 @!p0 $0x3  }
0xb3: {  	_ =	swait.ge @!p0 [sflag:s0], s1  }
0xb4: {  	s1 =	ssub.s32 @!p0 $0x0, s1;
	[sflag:s0] =	ssyncset.done @!p0 $0x0  }
0xb5: {  	[sflag:s0] =	ssyncadd.s32 @!p0 s1  }
0xb6: {  	[bflag:$0x3] =	sbarrier.arrive $0xFFFF  }
0xb7: {  	_ =	shalt  }

</sc_bundles>
